<compile_context>
chip_gen: v7x
topology: tpu7x:2x2x1
jax: 0.10.2.dev20260603
libtpu: 0.0.44.dev20260713+nightly
codegen_flags: <defaults>
</compile_context>

<pallas_src>
import functools

import jax
import jax.numpy as jnp
from jax import lax
from jax.experimental import pallas as pl
from jax.experimental.pallas import tpu as pltpu
from jax.experimental.pallas import tpu_sc as plsc

DIM = 128
N_NODES = 10000
N_EDGES = 320000

NC = 2
NS = 16
NW = NC * NS
CHUNK = 128
N_CHUNKS = N_EDGES // CHUNK
CHUNKS_PER_W = N_CHUNKS // NW
CHUNKS_REM = N_CHUNKS % NW
N_PAD = 10112
ROWS_PER_TILE = N_PAD // NS
OUT_COPY = 128
OUT_TAIL = ROWS_PER_TILE - 4 * OUT_COPY
HALF = CHUNKS_PER_W // 2


def _lin_body(x_ref, wt_ref, b_ref, o_ref):
    o_ref[...] = (
        jnp.dot(x_ref[...], wt_ref[...], preferred_element_type=jnp.float32)
        + b_ref[...]
    ).astype(jnp.bfloat16)


def _mlp_body(rbf_ref, wf0t_ref, bf0_ref, wf2t_ref, bf2_ref, o_ref):
    t = jnp.dot(rbf_ref[...], wf0t_ref[...], preferred_element_type=jnp.float32)
    t = jnp.dot(t, wf0t_ref[...], preferred_element_type=jnp.float32) + bf0_ref[...]
    t = t * jax.nn.sigmoid(t)
    o_ref[...] = (
        jnp.dot(t, wf2t_ref[...], preferred_element_type=jnp.float32) + bf2_ref[...]
    )


def _ln_body(x_ref, a0_ref, a1_ref, g_ref, b_ref, o_ref):
    h = x_ref[...] + a0_ref[...] + a1_ref[...]
    mu = jnp.mean(h, axis=-1, keepdims=True)
    var = jnp.mean(jnp.square(h - mu), axis=-1, keepdims=True)
    o_ref[...] = (h - mu) * lax.rsqrt(var + 1e-5) * g_ref[...] + b_ref[...]


def _sc_body(m_hbm, wxh_hbm, i_hbm, j_hbm, out_hbm,
             jv0, iv0, rows0, mv0, jv1, iv1, rows1, mv1,
             agg_sh, si0, sg0, ss0, si1, sg1, ss1):
    c = lax.axis_index("c")
    s = lax.axis_index("s")
    wid = s * NC + c

    zeros16 = jnp.zeros((16,), jnp.float32)

    def _zero_row(r, _):
        for q in range(DIM // 16):
            mv0[r, pl.ds(q * 16, 16)] = zeros16
        return 0

    lax.fori_loop(0, CHUNK, _zero_row, 0)
    for q in range(4):
        pltpu.sync_copy(
            mv0.at[pl.ds(0, OUT_COPY)],
            agg_sh.at[pl.ds(s * ROWS_PER_TILE + q * OUT_COPY, OUT_COPY)],
        )
    pltpu.sync_copy(
        mv0.at[pl.ds(0, OUT_TAIL)],
        agg_sh.at[pl.ds(s * ROWS_PER_TILE + 4 * OUT_COPY, OUT_TAIL)],
    )
    plsc.subcore_barrier()

    bufs = ((jv0, iv0, rows0, mv0, si0, sg0, ss0),
            (jv1, iv1, rows1, mv1, si1, sg1, ss1))

    def _off(g):
        return (g * NW + wid) * CHUNK

    def issue_idx(g, b):
        jv, iv, _, _, si, _, _ = bufs[b]
        pltpu.async_copy(j_hbm.at[pl.ds(_off(g), CHUNK)], jv, si)
        pltpu.async_copy(i_hbm.at[pl.ds(_off(g), CHUNK)], iv, si)

    def wait_idx(b):
        jv, iv, _, _, si, _, _ = bufs[b]
        pltpu.make_async_copy(j_hbm.at[pl.ds(0, CHUNK)], jv, si).wait()
        pltpu.make_async_copy(i_hbm.at[pl.ds(0, CHUNK)], iv, si).wait()

    def issue_gm(g, b):
        jv, _, rows, mv, _, sg, _ = bufs[b]
        pltpu.async_copy(wxh_hbm.at[jv], rows, sg)
        pltpu.async_copy(m_hbm.at[pl.ds(_off(g), CHUNK)], mv, sg)

    def wait_gm(b):
        jv, _, rows, mv, _, sg, _ = bufs[b]
        pltpu.make_async_copy(wxh_hbm.at[jv], rows, sg).wait()
        pltpu.make_async_copy(m_hbm.at[pl.ds(0, CHUNK)], mv, sg).wait()

    def mul(b):
        _, _, rows, mv, _, _, _ = bufs[b]

        def _mul_row(r, _):
            for q in range(DIM // 32):
                wi = rows[r, pl.ds(q * 16, 16)]
                wu = lax.bitcast_convert_type(wi << 16, jnp.float32)
                wv = lax.bitcast_convert_type(wi & jnp.int32(-65536), jnp.float32)
                slu = pl.ds(q * 32, 16)
                slv = pl.ds(q * 32 + 16, 16)
                mv[r, slu] = mv[r, slu] * wu
                mv[r, slv] = mv[r, slv] * wv
            return 0

        lax.fori_loop(0, CHUNK, _mul_row, 0)

    def scatter_start(b):
        _, iv, _, mv, _, _, ss = bufs[b]
        pltpu.async_copy(mv, agg_sh.at[iv], ss, add=True)

    def scatter_wait(b):
        _, iv, _, mv, _, _, ss = bufs[b]
        pltpu.make_async_copy(mv, agg_sh.at[iv], ss).wait()

    issue_idx(0, 0)
    wait_idx(0)
    issue_gm(0, 0)
    issue_idx(1, 1)

    def _steady(t, _):
        wait_idx(1)
        issue_gm(2 * t + 1, 1)
        wait_gm(0)
        mul(0)
        scatter_start(0)
        wait_gm(1)
        mul(1)
        scatter_wait(0)
        issue_idx(2 * t + 2, 0)
        wait_idx(0)
        issue_gm(2 * t + 2, 0)
        scatter_start(1)
        scatter_wait(1)
        issue_idx(2 * t + 3, 1)
        return 0

    lax.fori_loop(0, HALF - 1, _steady, 0)

    wait_idx(1)
    issue_gm(CHUNKS_PER_W - 1, 1)
    wait_gm(0)
    mul(0)
    scatter_start(0)
    wait_gm(1)
    mul(1)
    scatter_wait(0)
    scatter_start(1)
    scatter_wait(1)

    @pl.when(wid < CHUNKS_REM)
    def _():
        off = (CHUNKS_PER_W * NW + wid) * CHUNK
        pltpu.sync_copy(j_hbm.at[pl.ds(off, CHUNK)], jv0)
        pltpu.sync_copy(i_hbm.at[pl.ds(off, CHUNK)], iv0)
        pltpu.async_copy(wxh_hbm.at[jv0], rows0, sg0).wait()
        pltpu.sync_copy(m_hbm.at[pl.ds(off, CHUNK)], mv0)

        def _mul_row(r, _):
            for q in range(DIM // 32):
                wi = rows0[r, pl.ds(q * 16, 16)]
                wu = lax.bitcast_convert_type(wi << 16, jnp.float32)
                wv = lax.bitcast_convert_type(wi & jnp.int32(-65536), jnp.float32)
                slu = pl.ds(q * 32, 16)
                slv = pl.ds(q * 32 + 16, 16)
                mv0[r, slu] = mv0[r, slu] * wu
                mv0[r, slv] = mv0[r, slv] * wv
            return 0

        lax.fori_loop(0, CHUNK, _mul_row, 0)
        pltpu.sync_copy(mv0, agg_sh.at[iv0], add=True)

    plsc.subcore_barrier()
    for q in range(4):
        r0 = s * ROWS_PER_TILE + q * OUT_COPY
        pltpu.sync_copy(
            agg_sh.at[pl.ds(r0, OUT_COPY)], out_hbm.at[c, pl.ds(r0, OUT_COPY)]
        )
    r0 = s * ROWS_PER_TILE + 4 * OUT_COPY
    pltpu.sync_copy(
        agg_sh.at[pl.ds(r0, OUT_TAIL)], out_hbm.at[c, pl.ds(r0, OUT_TAIL)]
    )


_sc_call = functools.partial(
    pl.kernel,
    out_type=jax.ShapeDtypeStruct((NC, N_PAD, DIM), jnp.float32),
    mesh=plsc.VectorSubcoreMesh(core_axis_name="c", subcore_axis_name="s"),
    compiler_params=pltpu.CompilerParams(use_tc_tiling_on_sc=False),
    scratch_types=[
        pltpu.VMEM((CHUNK,), jnp.int32),
        pltpu.VMEM((CHUNK,), jnp.int32),
        pltpu.VMEM((CHUNK, DIM // 2), jnp.int32),
        pltpu.VMEM((CHUNK, DIM), jnp.float32),
        pltpu.VMEM((CHUNK,), jnp.int32),
        pltpu.VMEM((CHUNK,), jnp.int32),
        pltpu.VMEM((CHUNK, DIM // 2), jnp.int32),
        pltpu.VMEM((CHUNK, DIM), jnp.float32),
        pltpu.VMEM_SHARED((N_PAD, DIM), jnp.float32),
        pltpu.SemaphoreType.DMA,
        pltpu.SemaphoreType.DMA,
        pltpu.SemaphoreType.DMA,
        pltpu.SemaphoreType.DMA,
        pltpu.SemaphoreType.DMA,
        pltpu.SemaphoreType.DMA,
    ],
)(_sc_body)


def kernel(x, i, j, rbf, W_f0, b_f0, W_f2, b_f2, W_lin, b_lin, gamma, beta):
    i = i.astype(jnp.int32)
    j = j.astype(jnp.int32)

    nb = 10
    rows_b = N_NODES // nb
    perm = jnp.arange(DIM).reshape(4, 2, 16).transpose(0, 2, 1).reshape(DIM)
    wxh = pl.pallas_call(
        _lin_body,
        grid=(nb,),
        in_specs=[
            pl.BlockSpec((rows_b, DIM), lambda b: (b, 0)),
            pl.BlockSpec((DIM, DIM), lambda b: (0, 0)),
            pl.BlockSpec((1, DIM), lambda b: (0, 0)),
        ],
        out_specs=pl.BlockSpec((rows_b, DIM), lambda b: (b, 0)),
        out_shape=jax.ShapeDtypeStruct((N_NODES, DIM), jnp.bfloat16),
    )(x, W_lin.T[:, perm], b_lin[perm].reshape(1, DIM))

    eb = 4000
    m = pl.pallas_call(
        _mlp_body,
        grid=(N_EDGES // eb,),
        in_specs=[
            pl.BlockSpec((eb, DIM), lambda b: (b, 0)),
            pl.BlockSpec((DIM, DIM), lambda b: (0, 0)),
            pl.BlockSpec((1, DIM), lambda b: (0, 0)),
            pl.BlockSpec((DIM, DIM), lambda b: (0, 0)),
            pl.BlockSpec((1, DIM), lambda b: (0, 0)),
        ],
        out_specs=pl.BlockSpec((eb, DIM), lambda b: (b, 0)),
        out_shape=jax.ShapeDtypeStruct((N_EDGES, DIM), jnp.float32),
    )(rbf, W_f0.T, b_f0.reshape(1, DIM), W_f2.T, b_f2.reshape(1, DIM))

    wxh_i32 = lax.bitcast_convert_type(
        wxh.reshape(N_NODES, DIM // 2, 2), jnp.int32
    )
    agg2 = _sc_call(m, wxh_i32, i, j)[:, :N_NODES, :]

    out = pl.pallas_call(
        _ln_body,
        grid=(nb,),
        in_specs=[
            pl.BlockSpec((rows_b, DIM), lambda b: (b, 0)),
            pl.BlockSpec((rows_b, DIM), lambda b: (b, 0)),
            pl.BlockSpec((rows_b, DIM), lambda b: (b, 0)),
            pl.BlockSpec((1, DIM), lambda b: (0, 0)),
            pl.BlockSpec((1, DIM), lambda b: (0, 0)),
        ],
        out_specs=pl.BlockSpec((rows_b, DIM), lambda b: (b, 0)),
        out_shape=jax.ShapeDtypeStruct((N_NODES, DIM), jnp.float32),
    )(x, agg2[0], agg2[1], gamma.reshape(1, DIM), beta.reshape(1, DIM))
    return out

# --- scband reference (transcript-rebuilt; emitter-appended) ---
"""Pipeline reference for scband-sch-net-interaction-66666482368669 (READ-ONLY COPY).

The authoritative reference and input builder live on the scoring server;
editing this copy changes nothing except your own understanding.
"""

import jax, jax.numpy as jnp
import numpy as np

DIM = 128
NUM_KERNELS = 128
N_NODES = 10000
N_EDGES = 320000


def setup_inputs(seed: int = 0) -> dict:
    key = jax.random.key(seed)
    ks = jax.random.split(key, 12)
    x = jax.random.normal(ks[0], (N_NODES, DIM), dtype=jnp.float32)
    i = jax.random.randint(ks[1], (N_EDGES,), 0, N_NODES, dtype=jnp.int64 if jax.config.jax_enable_x64 else jnp.int32)
    j = jax.random.randint(ks[2], (N_EDGES,), 0, N_NODES, dtype=jnp.int64 if jax.config.jax_enable_x64 else jnp.int32)
    rbf = jax.random.uniform(ks[3], (N_EDGES, NUM_KERNELS), dtype=jnp.float32)
    # parameters (PyTorch Linear: weight [out, in], y = x @ W.T + b)
    lim0 = 1.0 / np.sqrt(NUM_KERNELS)
    W_f0 = jax.random.uniform(ks[4], (DIM, NUM_KERNELS), minval=-lim0, maxval=lim0, dtype=jnp.float32)
    b_f0 = jax.random.uniform(ks[5], (DIM,), minval=-lim0, maxval=lim0, dtype=jnp.float32)
    lim1 = 1.0 / np.sqrt(DIM)
    W_f2 = jax.random.uniform(ks[6], (DIM, DIM), minval=-lim1, maxval=lim1, dtype=jnp.float32)
    b_f2 = jax.random.uniform(ks[7], (DIM,), minval=-lim1, maxval=lim1, dtype=jnp.float32)
    W_lin = jax.random.uniform(ks[8], (DIM, DIM), minval=-lim1, maxval=lim1, dtype=jnp.float32)
    b_lin = jax.random.uniform(ks[9], (DIM,), minval=-lim1, maxval=lim1, dtype=jnp.float32)
    gamma = jnp.ones((DIM,), dtype=jnp.float32)
    beta = jnp.zeros((DIM,), dtype=jnp.float32)
    return {"x": x, "i": i, "j": j, "rbf": rbf,
            "W_f0": W_f0, "b_f0": b_f0, "W_f2": W_f2, "b_f2": b_f2,
            "W_lin": W_lin, "b_lin": b_lin, "gamma": gamma, "beta": beta}


def _layer_norm(h, gamma, beta, eps=1e-5):
    mu = jnp.mean(h, axis=-1, keepdims=True)
    var = jnp.mean(jnp.square(h - mu), axis=-1, keepdims=True)
    return (h - mu) / jnp.sqrt(var + eps) * gamma + beta


def reference(x, i, j, rbf, W_f0, b_f0, W_f2, b_f2, W_lin, b_lin, gamma, beta):
    # Wxh = self.lin(x)
    Wxh = x @ W_lin.T + b_lin
    # m = rbf @ self.filter[0].weight.T  (no bias)
    m = rbf @ W_f0.T
    # m = self.filter(m): Linear(num_kernels, dim) -> SiLU -> Linear(dim, dim)
    # (requires dim == num_kernels, as in the original module)
    m = m @ W_f0.T + b_f0
    m = m * jax.nn.sigmoid(m)  # SiLU
    m = m @ W_f2.T + b_f2
    # agg = zeros_like(x); agg.index_add_(0, i, m * Wxh[j])
    msgs = m * jnp.take(Wxh, j, axis=0)
    agg = jnp.zeros_like(x).at[i].add(msgs)
    # return self.norm(x + agg)
    return _layer_norm(x + agg, gamma, beta)

if __name__ == "__main__":
    import jax
    _d = setup_inputs()
    print(jax.jit(kernel)(*tuple(_d.values())))

</pallas_src>

<mosaic_0001>
#map = affine_map<(d0, d1) -> (0, 0)>
#map1 = affine_map<(d0, d1) -> (0)>
#map2 = affine_map<(d0, d1) -> (0, 0, 0)>
module attributes {stable_mosaic.version = 14 : i64} {
  func.func @_sc_body(%arg0: i32, %arg1: i32, %arg2: memref<320000x128xf32, #tpu.memory_space<hbm>>, %arg3: memref<10000x64xi32, #tpu.memory_space<hbm>>, %arg4: memref<320000xi32, #tpu.memory_space<hbm>>, %arg5: memref<320000xi32, #tpu.memory_space<hbm>>, %arg6: memref<2x10112x128xf32, #tpu.memory_space<hbm>>, %arg7: memref<128xi32, #tpu.memory_space<vmem>>, %arg8: memref<128xi32, #tpu.memory_space<vmem>>, %arg9: memref<128x64xi32, #tpu.memory_space<vmem>>, %arg10: memref<128x128xf32, #tpu.memory_space<vmem>>, %arg11: memref<128xi32, #tpu.memory_space<vmem>>, %arg12: memref<128xi32, #tpu.memory_space<vmem>>, %arg13: memref<128x64xi32, #tpu.memory_space<vmem>>, %arg14: memref<128x128xf32, #tpu.memory_space<vmem>>, %arg15: memref<10112x128xf32, #tpu.memory_space<vmem_shared>>, %arg16: memref<!tpu.dma_semaphore, #tpu.memory_space<semaphore_mem>>, %arg17: memref<!tpu.dma_semaphore, #tpu.memory_space<semaphore_mem>>, %arg18: memref<!tpu.dma_semaphore, #tpu.memory_space<semaphore_mem>>, %arg19: memref<!tpu.dma_semaphore, #tpu.memory_space<semaphore_mem>>, %arg20: memref<!tpu.dma_semaphore, #tpu.memory_space<semaphore_mem>>, %arg21: memref<!tpu.dma_semaphore, #tpu.memory_space<semaphore_mem>>) attributes {dimension_semantics = [#tpu.dimension_semantics<core_parallel>, #tpu.dimension_semantics<subcore_parallel>], iteration_bounds = array<i64: 2, 16>, scalar_prefetch = 0 : i64, scratch_operands = 15 : i64, tpu.core_type = #tpu.core_type<sc_vector_subcore>, window_params = [{transform_indices = #map}, {transform_indices = #map}, {transform_indices = #map1}, {transform_indices = #map1}, {transform_indices = #map2}]} {
    %mul3A = arith.constant 2 : i32
    %mul3A_0 = arith.muli %arg1, %mul3A : i32
    %add3A = arith.addi %mul3A_0, %arg0 : i32
    %broadcast_in_dim3A = arith.constant 0.000000e+00 : f32
    %broadcast_in_dim3A_1 = vector.broadcast %broadcast_in_dim3A : f32 to vector<16xf32>
    %scan3A = arith.constant 0 : i32
    %scan3A_2 = arith.constant 0 : i32
    %scan3A_3 = arith.constant 128 : i32
    %scan3A_4 = arith.addi %scan3A_2, %scan3A_3 : i32
    %scan3A_5 = arith.constant 1 : i32
    %scan3A_6 = scf.for %scan3A_162 = %scan3A_2 to %scan3A_4 step %scan3A_5 iter_args(%scan3A_163 = %scan3A) -> (i32)  : i32 {
      %swap3A = arith.index_cast %scan3A_162 : i32 to index
      %swap3A_164 = arith.constant 0 : index
      %swap3A_165 = tpu.vector_load %arg10[%swap3A, %swap3A_164] {strides = array<i32>} : memref<128x128xf32, #tpu.memory_space<vmem>>, vector<1x16xf32>,
      %swap3A_166 = vector.shape_cast %swap3A_165 : vector<1x16xf32> to vector<16xf32>
      %swap3A_167 = vector.shape_cast %broadcast_in_dim3A_1 : vector<16xf32> to vector<1x16xf32>
      tpu.vector_store %arg10[%swap3A, %swap3A_164], %swap3A_167 {strides = array<i32>} : memref<128x128xf32, #tpu.memory_space<vmem>>, vector<1x16xf32>,
      %swap3A_168 = arith.index_cast %scan3A_162 : i32 to index
      %swap3A_169 = arith.constant 16 : index
      %swap3A_170 = tpu.vector_load %arg10[%swap3A_168, %swap3A_169] {strides = array<i32>} : memref<128x128xf32, #tpu.memory_space<vmem>>, vector<1x16xf32>,
      %swap3A_171 = vector.shape_cast %swap3A_170 : vector<1x16xf32> to vector<16xf32>
      %swap3A_172 = vector.shape_cast %broadcast_in_dim3A_1 : vector<16xf32> to vector<1x16xf32>
      tpu.vector_store %arg10[%swap3A_168, %swap3A_169], %swap3A_172 {strides = array<i32>} : memref<128x128xf32, #tpu.memory_space<vmem>>, vector<1x16xf32>,
      %swap3A_173 = arith.index_cast %scan3A_162 : i32 to index
      %swap3A_174 = arith.constant 32 : index
      %swap3A_175 = tpu.vector_load %arg10[%swap3A_173, %swap3A_174] {strides = array<i32>} : memref<128x128xf32, #tpu.memory_space<vmem>>, vector<1x16xf32>,
      %swap3A_176 = vector.shape_cast %swap3A_175 : vector<1x16xf32> to vector<16xf32>
      %swap3A_177 = vector.shape_cast %broadcast_in_dim3A_1 : vector<16xf32> to vector<1x16xf32>
      tpu.vector_store %arg10[%swap3A_173, %swap3A_174], %swap3A_177 {strides = array<i32>} : memref<128x128xf32, #tpu.memory_space<vmem>>, vector<1x16xf32>,
      %swap3A_178 = arith.index_cast %scan3A_162 : i32 to index
      %swap3A_179 = arith.constant 48 : index
      %swap3A_180 = tpu.vector_load %arg10[%swap3A_178, %swap3A_179] {strides = array<i32>} : memref<128x128xf32, #tpu.memory_space<vmem>>, vector<1x16xf32>,
      %swap3A_181 = vector.shape_cast %swap3A_180 : vector<1x16xf32> to vector<16xf32>
      %swap3A_182 = vector.shape_cast %broadcast_in_dim3A_1 : vector<16xf32> to vector<1x16xf32>
      tpu.vector_store %arg10[%swap3A_178, %swap3A_179], %swap3A_182 {strides = array<i32>} : memref<128x128xf32, #tpu.memory_space<vmem>>, vector<1x16xf32>,
      %swap3A_183 = arith.index_cast %scan3A_162 : i32 to index
      %swap3A_184 = arith.constant 64 : index
      %swap3A_185 = tpu.vector_load %arg10[%swap3A_183, %swap3A_184] {strides = array<i32>} : memref<128x128xf32, #tpu.memory_space<vmem>>, vector<1x16xf32>,
      %swap3A_186 = vector.shape_cast %swap3A_185 : vector<1x16xf32> to vector<16xf32>
      %swap3A_187 = vector.shape_cast %broadcast_in_dim3A_1 : vector<16xf32> to vector<1x16xf32>
      tpu.vector_store %arg10[%swap3A_183, %swap3A_184], %swap3A_187 {strides = array<i32>} : memref<128x128xf32, #tpu.memory_space<vmem>>, vector<1x16xf32>,
      %swap3A_188 = arith.index_cast %scan3A_162 : i32 to index
      %swap3A_189 = arith.constant 80 : index
      %swap3A_190 = tpu.vector_load %arg10[%swap3A_188, %swap3A_189] {strides = array<i32>} : memref<128x128xf32, #tpu.memory_space<vmem>>, vector<1x16xf32>,
      %swap3A_191 = vector.shape_cast %swap3A_190 : vector<1x16xf32> to vector<16xf32>
      %swap3A_192 = vector.shape_cast %broadcast_in_dim3A_1 : vector<16xf32> to vector<1x16xf32>
      tpu.vector_store %arg10[%swap3A_188, %swap3A_189], %swap3A_192 {strides = array<i32>} : memref<128x128xf32, #tpu.memory_space<vmem>>, vector<1x16xf32>,
      %swap3A_193 = arith.index_cast %scan3A_162 : i32 to index
      %swap3A_194 = arith.constant 96 : index
      %swap3A_195 = tpu.vector_load %arg10[%swap3A_193, %swap3A_194] {strides = array<i32>} : memref<128x128xf32, #tpu.memory_space<vmem>>, vector<1x16xf32>,
      %swap3A_196 = vector.shape_cast %swap3A_195 : vector<1x16xf32> to vector<16xf32>
      %swap3A_197 = vector.shape_cast %broadcast_in_dim3A_1 : vector<16xf32> to vector<1x16xf32>
      tpu.vector_store %arg10[%swap3A_193, %swap3A_194], %swap3A_197 {strides = array<i32>} : memref<128x128xf32, #tpu.memory_space<vmem>>, vector<1x16xf32>,
      %swap3A_198 = arith.index_cast %scan3A_162 : i32 to index
      %swap3A_199 = arith.constant 112 : index
      %swap3A_200 = tpu.vector_load %arg10[%swap3A_198, %swap3A_199] {strides = array<i32>} : memref<128x128xf32, #tpu.memory_space<vmem>>, vector<1x16xf32>,
      %swap3A_201 = vector.shape_cast %swap3A_200 : vector<1x16xf32> to vector<16xf32>
      %swap3A_202 = vector.shape_cast %broadcast_in_dim3A_1 : vector<16xf32> to vector<1x16xf32>
      tpu.vector_store %arg10[%swap3A_198, %swap3A_199], %swap3A_202 {strides = array<i32>} : memref<128x128xf32, #tpu.memory_space<vmem>>, vector<1x16xf32>,
      %scan3A_203 = arith.constant 0 : i32
      scf.yield %scan3A_203 : i32
    }
    %scan3A_7 = arith.constant 128 : i32
    %mul3A_8 = arith.constant 632 : i32
    %mul3A_9 = arith.muli %arg1, %mul3A_8 : i32
    %add3A_10 = arith.constant 0 : i32
    %add3A_11 = arith.addi %mul3A_9, %add3A_10 : i32
    "tpu.region"() ({
      %run_scoped3A = tpu.sem_alloc : memref<!tpu.dma_semaphore, #tpu.memory_space<semaphore_mem>>
      %dma_start3A_162 = arith.constant 0 : i32
      %dma_start3A_163 = arith.constant 0 : i32
      %dma_start3A_164 = tpu.memref_slice %arg10[%dma_start3A_162, %dma_start3A_163] : memref<128x128xf32, #tpu.memory_space<vmem>> -> memref<128x128xf32, #tpu.memory_space<vmem>>
      %dma_start3A_165 = arith.constant 0 : i32
      %dma_start3A_166 = tpu.memref_slice %arg15[%add3A_11, %dma_start3A_165] : memref<10112x128xf32, #tpu.memory_space<vmem_shared>> -> memref<128x128xf32, #tpu.memory_space<vmem_shared>>
      %dma_start3A_167 = arith.constant 0 : i32
      %dma_start3A_168 = tpu.memref_slice %arg15[%add3A_11, %dma_start3A_167] : memref<10112x128xf32, #tpu.memory_space<vmem_shared>> -> memref<128x128xf32, #tpu.memory_space<vmem_shared>>
      %dma_start3A_169 = arith.constant 0 : i32
      %dma_start3A_170 = arith.constant 0 : i32
      %dma_start3A_171 = tpu.memref_slice %arg10[%dma_start3A_169, %dma_start3A_170] : memref<128x128xf32, #tpu.memory_space<vmem>> -> memref<128x128xf32, #tpu.memory_space<vmem>>
      tpu.enqueue_dma source(%dma_start3A_171 : memref<128x128xf32, #tpu.memory_space<vmem>>) target(%dma_start3A_168 : memref<128x128xf32, #tpu.memory_space<vmem_shared>>) target_semaphore(%run_scoped3A : memref<!tpu.dma_semaphore, #tpu.memory_space<semaphore_mem>>)
      %dma_wait3A_172 = arith.constant 0 : i32
      %dma_wait3A_173 = arith.constant 0 : i32
      %dma_wait3A_174 = tpu.memref_slice %arg10[%dma_wait3A_172, %dma_wait3A_173] : memref<128x128xf32, #tpu.memory_space<vmem>> -> memref<128x128xf32, #tpu.memory_space<vmem>>
      %dma_wait3A_175 = arith.constant 0 : i32
      %dma_wait3A_176 = tpu.memref_slice %arg15[%add3A_11, %dma_wait3A_175] : memref<10112x128xf32, #tpu.memory_space<vmem_shared>> -> memref<128x128xf32, #tpu.memory_space<vmem_shared>>
      %dma_wait3A_177 = arith.constant 0 : i32
      %dma_wait3A_178 = tpu.memref_slice %arg15[%add3A_11, %dma_wait3A_177] : memref<10112x128xf32, #tpu.memory_space<vmem_shared>> -> memref<128x128xf32, #tpu.memory_space<vmem_shared>>
      %dma_wait3A_179 = arith.constant 0 : i32
      %dma_wait3A_180 = arith.constant 0 : i32
      %dma_wait3A_181 = tpu.memref_slice %arg10[%dma_wait3A_179, %dma_wait3A_180] : memref<128x128xf32, #tpu.memory_space<vmem>> -> memref<128x128xf32, #tpu.memory_space<vmem>>
      tpu.wait_dma2 semaphore(%run_scoped3A : memref<!tpu.dma_semaphore, #tpu.memory_space<semaphore_mem>>) src(%dma_wait3A_181 : memref<128x128xf32, #tpu.memory_space<vmem>>) dst(%dma_wait3A_178 : memref<128x128xf32, #tpu.memory_space<vmem_shared>>)
      tpu.yield
    }) : () -> ()
    %mul3A_12 = arith.constant 632 : i32
    %mul3A_13 = arith.muli %arg1, %mul3A_12 : i32
    %add3A_14 = arith.constant 128 : i32
    %add3A_15 = arith.addi %mul3A_13, %add3A_14 : i32
    "tpu.region"() ({
      %run_scoped3A = tpu.sem_alloc : memref<!tpu.dma_semaphore, #tpu.memory_space<semaphore_mem>>
      %dma_start3A_162 = arith.constant 0 : i32
      %dma_start3A_163 = arith.constant 0 : i32
      %dma_start3A_164 = tpu.memref_slice %arg10[%dma_start3A_162, %dma_start3A_163] : memref<128x128xf32, #tpu.memory_space<vmem>> -> memref<128x128xf32, #tpu.memory_space<vmem>>
      %dma_start3A_165 = arith.constant 0 : i32
      %dma_start3A_166 = tpu.memref_slice %arg15[%add3A_15, %dma_start3A_165] : memref<10112x128xf32, #tpu.memory_space<vmem_shared>> -> memref<128x128xf32, #tpu.memory_space<vmem_shared>>
      %dma_start3A_167 = arith.constant 0 : i32
      %dma_start3A_168 = tpu.memref_slice %arg15[%add3A_15, %dma_start3A_167] : memref<10112x128xf32, #tpu.memory_space<vmem_shared>> -> memref<128x128xf32, #tpu.memory_space<vmem_shared>>
      %dma_start3A_169 = arith.constant 0 : i32
      %dma_start3A_170 = arith.constant 0 : i32
      %dma_start3A_171 = tpu.memref_slice %arg10[%dma_start3A_169, %dma_start3A_170] : memref<128x128xf32, #tpu.memory_space<vmem>> -> memref<128x128xf32, #tpu.memory_space<vmem>>
      tpu.enqueue_dma source(%dma_start3A_171 : memref<128x128xf32, #tpu.memory_space<vmem>>) target(%dma_start3A_168 : memref<128x128xf32, #tpu.memory_space<vmem_shared>>) target_semaphore(%run_scoped3A : memref<!tpu.dma_semaphore, #tpu.memory_space<semaphore_mem>>)
      %dma_wait3A_172 = arith.constant 0 : i32
      %dma_wait3A_173 = arith.constant 0 : i32
      %dma_wait3A_174 = tpu.memref_slice %arg10[%dma_wait3A_172, %dma_wait3A_173] : memref<128x128xf32, #tpu.memory_space<vmem>> -> memref<128x128xf32, #tpu.memory_space<vmem>>
      %dma_wait3A_175 = arith.constant 0 : i32
      %dma_wait3A_176 = tpu.memref_slice %arg15[%add3A_15, %dma_wait3A_175] : memref<10112x128xf32, #tpu.memory_space<vmem_shared>> -> memref<128x128xf32, #tpu.memory_space<vmem_shared>>
      %dma_wait3A_177 = arith.constant 0 : i32
      %dma_wait3A_178 = tpu.memref_slice %arg15[%add3A_15, %dma_wait3A_177] : memref<10112x128xf32, #tpu.memory_space<vmem_shared>> -> memref<128x128xf32, #tpu.memory_space<vmem_shared>>
      %dma_wait3A_179 = arith.constant 0 : i32
      %dma_wait3A_180 = arith.constant 0 : i32
      %dma_wait3A_181 = tpu.memref_slice %arg10[%dma_wait3A_179, %dma_wait3A_180] : memref<128x128xf32, #tpu.memory_space<vmem>> -> memref<128x128xf32, #tpu.memory_space<vmem>>
      tpu.wait_dma2 semaphore(%run_scoped3A : memref<!tpu.dma_semaphore, #tpu.memory_space<semaphore_mem>>) src(%dma_wait3A_181 : memref<128x128xf32, #tpu.memory_space<vmem>>) dst(%dma_wait3A_178 : memref<128x128xf32, #tpu.memory_space<vmem_shared>>)
      tpu.yield
    }) : () -> ()
    %mul3A_16 = arith.constant 632 : i32
    %mul3A_17 = arith.muli %arg1, %mul3A_16 : i32
    %add3A_18 = arith.constant 256 : i32
    %add3A_19 = arith.addi %mul3A_17, %add3A_18 : i32
    "tpu.region"() ({
      %run_scoped3A = tpu.sem_alloc : memref<!tpu.dma_semaphore, #tpu.memory_space<semaphore_mem>>
      %dma_start3A_162 = arith.constant 0 : i32
      %dma_start3A_163 = arith.constant 0 : i32
      %dma_start3A_164 = tpu.memref_slice %arg10[%dma_start3A_162, %dma_start3A_163] : memref<128x128xf32, #tpu.memory_space<vmem>> -> memref<128x128xf32, #tpu.memory_space<vmem>>
      %dma_start3A_165 = arith.constant 0 : i32
      %dma_start3A_166 = tpu.memref_slice %arg15[%add3A_19, %dma_start3A_165] : memref<10112x128xf32, #tpu.memory_space<vmem_shared>> -> memref<128x128xf32, #tpu.memory_space<vmem_shared>>
      %dma_start3A_167 = arith.constant 0 : i32
      %dma_start3A_168 = tpu.memref_slice %arg15[%add3A_19, %dma_start3A_167] : memref<10112x128xf32, #tpu.memory_space<vmem_shared>> -> memref<128x128xf32, #tpu.memory_space<vmem_shared>>
      %dma_start3A_169 = arith.constant 0 : i32
      %dma_start3A_170 = arith.constant 0 : i32
      %dma_start3A_171 = tpu.memref_slice %arg10[%dma_start3A_169, %dma_start3A_170] : memref<128x128xf32, #tpu.memory_space<vmem>> -> memref<128x128xf32, #tpu.memory_space<vmem>>
      tpu.enqueue_dma source(%dma_start3A_171 : memref<128x128xf32, #tpu.memory_space<vmem>>) target(%dma_start3A_168 : memref<128x128xf32, #tpu.memory_space<vmem_shared>>) target_semaphore(%run_scoped3A : memref<!tpu.dma_semaphore, #tpu.memory_space<semaphore_mem>>)
      %dma_wait3A_172 = arith.constant 0 : i32
      %dma_wait3A_173 = arith.constant 0 : i32
      %dma_wait3A_174 = tpu.memref_slice %arg10[%dma_wait3A_172, %dma_wait3A_173] : memref<128x128xf32, #tpu.memory_space<vmem>> -> memref<128x128xf32, #tpu.memory_space<vmem>>
      %dma_wait3A_175 = arith.constant 0 : i32
      %dma_wait3A_176 = tpu.memref_slice %arg15[%add3A_19, %dma_wait3A_175] : memref<10112x128xf32, #tpu.memory_space<vmem_shared>> -> memref<128x128xf32, #tpu.memory_space<vmem_shared>>
      %dma_wait3A_177 = arith.constant 0 : i32
      %dma_wait3A_178 = tpu.memref_slice %arg15[%add3A_19, %dma_wait3A_177] : memref<10112x128xf32, #tpu.memory_space<vmem_shared>> -> memref<128x128xf32, #tpu.memory_space<vmem_shared>>
      %dma_wait3A_179 = arith.constant 0 : i32
      %dma_wait3A_180 = arith.constant 0 : i32
      %dma_wait3A_181 = tpu.memref_slice %arg10[%dma_wait3A_179, %dma_wait3A_180] : memref<128x128xf32, #tpu.memory_space<vmem>> -> memref<128x128xf32, #tpu.memory_space<vmem>>
      tpu.wait_dma2 semaphore(%run_scoped3A : memref<!tpu.dma_semaphore, #tpu.memory_space<semaphore_mem>>) src(%dma_wait3A_181 : memref<128x128xf32, #tpu.memory_space<vmem>>) dst(%dma_wait3A_178 : memref<128x128xf32, #tpu.memory_space<vmem_shared>>)
      tpu.yield
    }) : () -> ()
    %mul3A_20 = arith.constant 632 : i32
    %mul3A_21 = arith.muli %arg1, %mul3A_20 : i32
    %add3A_22 = arith.constant 384 : i32
    %add3A_23 = arith.addi %mul3A_21, %add3A_22 : i32
    "tpu.region"() ({
      %run_scoped3A = tpu.sem_alloc : memref<!tpu.dma_semaphore, #tpu.memory_space<semaphore_mem>>
      %dma_start3A_162 = arith.constant 0 : i32
      %dma_start3A_163 = arith.constant 0 : i32
      %dma_start3A_164 = tpu.memref_slice %arg10[%dma_start3A_162, %dma_start3A_163] : memref<128x128xf32, #tpu.memory_space<vmem>> -> memref<128x128xf32, #tpu.memory_space<vmem>>
      %dma_start3A_165 = arith.constant 0 : i32
      %dma_start3A_166 = tpu.memref_slice %arg15[%add3A_23, %dma_start3A_165] : memref<10112x128xf32, #tpu.memory_space<vmem_shared>> -> memref<128x128xf32, #tpu.memory_space<vmem_shared>>
      %dma_start3A_167 = arith.constant 0 : i32
      %dma_start3A_168 = tpu.memref_slice %arg15[%add3A_23, %dma_start3A_167] : memref<10112x128xf32, #tpu.memory_space<vmem_shared>> -> memref<128x128xf32, #tpu.memory_space<vmem_shared>>
      %dma_start3A_169 = arith.constant 0 : i32
      %dma_start3A_170 = arith.constant 0 : i32
      %dma_start3A_171 = tpu.memref_slice %arg10[%dma_start3A_169, %dma_start3A_170] : memref<128x128xf32, #tpu.memory_space<vmem>> -> memref<128x128xf32, #tpu.memory_space<vmem>>
      tpu.enqueue_dma source(%dma_start3A_171 : memref<128x128xf32, #tpu.memory_space<vmem>>) target(%dma_start3A_168 : memref<128x128xf32, #tpu.memory_space<vmem_shared>>) target_semaphore(%run_scoped3A : memref<!tpu.dma_semaphore, #tpu.memory_space<semaphore_mem>>)
      %dma_wait3A_172 = arith.constant 0 : i32
      %dma_wait3A_173 = arith.constant 0 : i32
      %dma_wait3A_174 = tpu.memref_slice %arg10[%dma_wait3A_172, %dma_wait3A_173] : memref<128x128xf32, #tpu.memory_space<vmem>> -> memref<128x128xf32, #tpu.memory_space<vmem>>
      %dma_wait3A_175 = arith.constant 0 : i32
      %dma_wait3A_176 = tpu.memref_slice %arg15[%add3A_23, %dma_wait3A_175] : memref<10112x128xf32, #tpu.memory_space<vmem_shared>> -> memref<128x128xf32, #tpu.memory_space<vmem_shared>>
      %dma_wait3A_177 = arith.constant 0 : i32
      %dma_wait3A_178 = tpu.memref_slice %arg15[%add3A_23, %dma_wait3A_177] : memref<10112x128xf32, #tpu.memory_space<vmem_shared>> -> memref<128x128xf32, #tpu.memory_space<vmem_shared>>
      %dma_wait3A_179 = arith.constant 0 : i32
      %dma_wait3A_180 = arith.constant 0 : i32
      %dma_wait3A_181 = tpu.memref_slice %arg10[%dma_wait3A_179, %dma_wait3A_180] : memref<128x128xf32, #tpu.memory_space<vmem>> -> memref<128x128xf32, #tpu.memory_space<vmem>>
      tpu.wait_dma2 semaphore(%run_scoped3A : memref<!tpu.dma_semaphore, #tpu.memory_space<semaphore_mem>>) src(%dma_wait3A_181 : memref<128x128xf32, #tpu.memory_space<vmem>>) dst(%dma_wait3A_178 : memref<128x128xf32, #tpu.memory_space<vmem_shared>>)
      tpu.yield
    }) : () -> ()
    %mul3A_24 = arith.constant 632 : i32
    %mul3A_25 = arith.muli %arg1, %mul3A_24 : i32
    %add3A_26 = arith.constant 512 : i32
    %add3A_27 = arith.addi %mul3A_25, %add3A_26 : i32
    "tpu.region"() ({
      %run_scoped3A = tpu.sem_alloc : memref<!tpu.dma_semaphore, #tpu.memory_space<semaphore_mem>>
      %dma_start3A_162 = arith.constant 0 : i32
      %dma_start3A_163 = arith.constant 0 : i32
      %dma_start3A_164 = tpu.memref_slice %arg10[%dma_start3A_162, %dma_start3A_163] : memref<128x128xf32, #tpu.memory_space<vmem>> -> memref<120x128xf32, #tpu.memory_space<vmem>>
      %dma_start3A_165 = arith.constant 0 : i32
      %dma_start3A_166 = tpu.memref_slice %arg15[%add3A_27, %dma_start3A_165] : memref<10112x128xf32, #tpu.memory_space<vmem_shared>> -> memref<120x128xf32, #tpu.memory_space<vmem_shared>>
      %dma_start3A_167 = arith.constant 0 : i32
      %dma_start3A_168 = tpu.memref_slice %arg15[%add3A_27, %dma_start3A_167] : memref<10112x128xf32, #tpu.memory_space<vmem_shared>> -> memref<120x128xf32, #tpu.memory_space<vmem_shared>>
      %dma_start3A_169 = arith.constant 0 : i32
      %dma_start3A_170 = arith.constant 0 : i32
      %dma_start3A_171 = tpu.memref_slice %arg10[%dma_start3A_169, %dma_start3A_170] : memref<128x128xf32, #tpu.memory_space<vmem>> -> memref<120x128xf32, #tpu.memory_space<vmem>>
      tpu.enqueue_dma source(%dma_start3A_171 : memref<120x128xf32, #tpu.memory_space<vmem>>) target(%dma_start3A_168 : memref<120x128xf32, #tpu.memory_space<vmem_shared>>) target_semaphore(%run_scoped3A : memref<!tpu.dma_semaphore, #tpu.memory_space<semaphore_mem>>)
      %dma_wait3A_172 = arith.constant 0 : i32
      %dma_wait3A_173 = arith.constant 0 : i32
      %dma_wait3A_174 = tpu.memref_slice %arg10[%dma_wait3A_172, %dma_wait3A_173] : memref<128x128xf32, #tpu.memory_space<vmem>> -> memref<120x128xf32, #tpu.memory_space<vmem>>
      %dma_wait3A_175 = arith.constant 0 : i32
      %dma_wait3A_176 = tpu.memref_slice %arg15[%add3A_27, %dma_wait3A_175] : memref<10112x128xf32, #tpu.memory_space<vmem_shared>> -> memref<120x128xf32, #tpu.memory_space<vmem_shared>>
      %dma_wait3A_177 = arith.constant 0 : i32
      %dma_wait3A_178 = tpu.memref_slice %arg15[%add3A_27, %dma_wait3A_177] : memref<10112x128xf32, #tpu.memory_space<vmem_shared>> -> memref<120x128xf32, #tpu.memory_space<vmem_shared>>
      %dma_wait3A_179 = arith.constant 0 : i32
      %dma_wait3A_180 = arith.constant 0 : i32
      %dma_wait3A_181 = tpu.memref_slice %arg10[%dma_wait3A_179, %dma_wait3A_180] : memref<128x128xf32, #tpu.memory_space<vmem>> -> memref<120x128xf32, #tpu.memory_space<vmem>>
      tpu.wait_dma2 semaphore(%run_scoped3A : memref<!tpu.dma_semaphore, #tpu.memory_space<semaphore_mem>>) src(%dma_wait3A_181 : memref<120x128xf32, #tpu.memory_space<vmem>>) dst(%dma_wait3A_178 : memref<120x128xf32, #tpu.memory_space<vmem_shared>>)
      tpu.yield
    }) : () -> ()
    %barrier3A = arith.constant 0 : index
    tpu.barrier barrier_id(%barrier3A)
    %add3A_28 = arith.constant 0 : i32
    %add3A_29 = arith.addi %add3A_28, %add3A : i32
    %mul3A_30 = arith.constant 128 : i32
    %mul3A_31 = arith.muli %add3A_29, %mul3A_30 : i32
    %dma_start3A = tpu.memref_slice %arg5[%mul3A_31] : memref<320000xi32, #tpu.memory_space<hbm>> -> memref<128xi32, #tpu.memory_space<hbm>>
    %dma_start3A_32 = tpu.memref_slice %arg5[%mul3A_31] : memref<320000xi32, #tpu.memory_space<hbm>> -> memref<128xi32, #tpu.memory_space<hbm>>
    tpu.enqueue_dma source(%dma_start3A_32 : memref<128xi32, #tpu.memory_space<hbm>>) target(%arg7 : memref<128xi32, #tpu.memory_space<vmem>>) target_semaphore(%arg16 : memref<!tpu.dma_semaphore, #tpu.memory_space<semaphore_mem>>)
    %add3A_33 = arith.constant 0 : i32
    %add3A_34 = arith.addi %add3A_33, %add3A : i32
    %mul3A_35 = arith.constant 128 : i32
    %mul3A_36 = arith.muli %add3A_34, %mul3A_35 : i32
    %dma_start3A_37 = tpu.memref_slice %arg4[%mul3A_36] : memref<320000xi32, #tpu.memory_space<hbm>> -> memref<128xi32, #tpu.memory_space<hbm>>
    %dma_start3A_38 = tpu.memref_slice %arg4[%mul3A_36] : memref<320000xi32, #tpu.memory_space<hbm>> -> memref<128xi32, #tpu.memory_space<hbm>>
    tpu.enqueue_dma source(%dma_start3A_38 : memref<128xi32, #tpu.memory_space<hbm>>) target(%arg8 : memref<128xi32, #tpu.memory_space<vmem>>) target_semaphore(%arg16 : memref<!tpu.dma_semaphore, #tpu.memory_space<semaphore_mem>>)
    %dma_wait3A = arith.constant 0 : i32
    %dma_wait3A_39 = tpu.memref_slice %arg5[%dma_wait3A] : memref<320000xi32, #tpu.memory_space<hbm>> -> memref<128xi32, #tpu.memory_space<hbm>>
    %dma_wait3A_40 = arith.constant 0 : i32
    %dma_wait3A_41 = tpu.memref_slice %arg5[%dma_wait3A_40] : memref<320000xi32, #tpu.memory_space<hbm>> -> memref<128xi32, #tpu.memory_space<hbm>>
    tpu.wait_dma2 semaphore(%arg16 : memref<!tpu.dma_semaphore, #tpu.memory_space<semaphore_mem>>) src(%dma_wait3A_41 : memref<128xi32, #tpu.memory_space<hbm>>) dst(%arg7 : memref<128xi32, #tpu.memory_space<vmem>>)
    %dma_wait3A_42 = arith.constant 0 : i32
    %dma_wait3A_43 = tpu.memref_slice %arg4[%dma_wait3A_42] : memref<320000xi32, #tpu.memory_space<hbm>> -> memref<128xi32, #tpu.memory_space<hbm>>
    %dma_wait3A_44 = arith.constant 0 : i32
    %dma_wait3A_45 = tpu.memref_slice %arg4[%dma_wait3A_44] : memref<320000xi32, #tpu.memory_space<hbm>> -> memref<128xi32, #tpu.memory_space<hbm>>
    tpu.wait_dma2 semaphore(%arg16 : memref<!tpu.dma_semaphore, #tpu.memory_space<semaphore_mem>>) src(%dma_wait3A_45 : memref<128xi32, #tpu.memory_space<hbm>>) dst(%arg8 : memref<128xi32, #tpu.memory_space<vmem>>)
    %dma_start3A_46 = arith.constant 0 : i32
    %dma_start3A_47 = arith.constant 0 : i32
    %dma_start3A_48 = tpu.memref_slice %arg3[%dma_start3A_46, %dma_start3A_47] : memref<10000x64xi32, #tpu.memory_space<hbm>> -> memref<10000x64xi32, #tpu.memory_space<hbm>>
    tpu.enqueue_indirect_dma source(%dma_start3A_48 : memref<10000x64xi32, #tpu.memory_space<hbm>>) target(%arg9 : memref<128x64xi32, #tpu.memory_space<vmem>>) offsets(%arg7 : memref<128xi32, #tpu.memory_space<vmem>>) semaphore(%arg17 : memref<!tpu.dma_semaphore, #tpu.memory_space<semaphore_mem>>)
    %add3A_49 = arith.constant 0 : i32
    %add3A_50 = arith.addi %add3A_49, %add3A : i32
    %mul3A_51 = arith.constant 128 : i32
    %mul3A_52 = arith.muli %add3A_50, %mul3A_51 : i32
    %dma_start3A_53 = arith.constant 0 : i32
    %dma_start3A_54 = tpu.memref_slice %arg2[%mul3A_52, %dma_start3A_53] : memref<320000x128xf32, #tpu.memory_space<hbm>> -> memref<128x128xf32, #tpu.memory_space<hbm>>
    %dma_start3A_55 = arith.constant 0 : i32
    %dma_start3A_56 = tpu.memref_slice %arg2[%mul3A_52, %dma_start3A_55] : memref<320000x128xf32, #tpu.memory_space<hbm>> -> memref<128x128xf32, #tpu.memory_space<hbm>>
    tpu.enqueue_dma source(%dma_start3A_56 : memref<128x128xf32, #tpu.memory_space<hbm>>) target(%arg10 : memref<128x128xf32, #tpu.memory_space<vmem>>) target_semaphore(%arg17 : memref<!tpu.dma_semaphore, #tpu.memory_space<semaphore_mem>>)
    %add3A_57 = arith.constant 32 : i32
    %add3A_58 = arith.addi %add3A_57, %add3A : i32
    %mul3A_59 = arith.constant 128 : i32
    %mul3A_60 = arith.muli %add3A_58, %mul3A_59 : i32
    %dma_start3A_61 = tpu.memref_slice %arg5[%mul3A_60] : memref<320000xi32, #tpu.memory_space<hbm>> -> memref<128xi32, #tpu.memory_space<hbm>>
    %dma_start3A_62 = tpu.memref_slice %arg5[%mul3A_60] : memref<320000xi32, #tpu.memory_space<hbm>> -> memref<128xi32, #tpu.memory_space<hbm>>
    tpu.enqueue_dma source(%dma_start3A_62 : memref<128xi32, #tpu.memory_space<hbm>>) target(%arg11 : memref<128xi32, #tpu.memory_space<vmem>>) target_semaphore(%arg19 : memref<!tpu.dma_semaphore, #tpu.memory_space<semaphore_mem>>)
    %add3A_63 = arith.constant 32 : i32
    %add3A_64 = arith.addi %add3A_63, %add3A : i32
    %mul3A_65 = arith.constant 128 : i32
    %mul3A_66 = arith.muli %add3A_64, %mul3A_65 : i32
    %dma_start3A_67 = tpu.memref_slice %arg4[%mul3A_66] : memref<320000xi32, #tpu.memory_space<hbm>> -> memref<128xi32, #tpu.memory_space<hbm>>
    %dma_start3A_68 = tpu.memref_slice %arg4[%mul3A_66] : memref<320000xi32, #tpu.memory_space<hbm>> -> memref<128xi32, #tpu.memory_space<hbm>>
    tpu.enqueue_dma source(%dma_start3A_68 : memref<128xi32, #tpu.memory_space<hbm>>) target(%arg12 : memref<128xi32, #tpu.memory_space<vmem>>) target_semaphore(%arg19 : memref<!tpu.dma_semaphore, #tpu.memory_space<semaphore_mem>>)
    %scan3A_69 = arith.constant 0 : i32
    %scan3A_70 = arith.constant 0 : i32
    %scan3A_71 = arith.constant 38 : i32
    %scan3A_72 = arith.addi %scan3A_70, %scan3A_71 : i32
    %scan3A_73 = arith.constant 1 : i32
    %scan3A_74 = scf.for %scan3A_162 = %scan3A_70 to %scan3A_72 step %scan3A_73 iter_args(%scan3A_163 = %scan3A_69) -> (i32)  : i32 {
      %dma_wait3A_164 = arith.constant 0 : i32
      %dma_wait3A_165 = tpu.memref_slice %arg5[%dma_wait3A_164] : memref<320000xi32, #tpu.memory_space<hbm>> -> memref<128xi32, #tpu.memory_space<hbm>>
      %dma_wait3A_166 = arith.constant 0 : i32
      %dma_wait3A_167 = tpu.memref_slice %arg5[%dma_wait3A_166] : memref<320000xi32, #tpu.memory_space<hbm>> -> memref<128xi32, #tpu.memory_space<hbm>>
      tpu.wait_dma2 semaphore(%arg19 : memref<!tpu.dma_semaphore, #tpu.memory_space<semaphore_mem>>) src(%dma_wait3A_167 : memref<128xi32, #tpu.memory_space<hbm>>) dst(%arg11 : memref<128xi32, #tpu.memory_space<vmem>>)
      %dma_wait3A_168 = arith.constant 0 : i32
      %dma_wait3A_169 = tpu.memref_slice %arg4[%dma_wait3A_168] : memref<320000xi32, #tpu.memory_space<hbm>> -> memref<128xi32, #tpu.memory_space<hbm>>
      %dma_wait3A_170 = arith.constant 0 : i32
      %dma_wait3A_171 = tpu.memref_slice %arg4[%dma_wait3A_170] : memref<320000xi32, #tpu.memory_space<hbm>> -> memref<128xi32, #tpu.memory_space<hbm>>
      tpu.wait_dma2 semaphore(%arg19 : memref<!tpu.dma_semaphore, #tpu.memory_space<semaphore_mem>>) src(%dma_wait3A_171 : memref<128xi32, #tpu.memory_space<hbm>>) dst(%arg12 : memref<128xi32, #tpu.memory_space<vmem>>)
      %mul3A_172 = arith.constant 2 : i32
      %mul3A_173 = arith.muli %mul3A_172, %scan3A_162 : i32
      %add3A_174 = arith.constant 1 : i32
      %add3A_175 = arith.addi %mul3A_173, %add3A_174 : i32
      %dma_start3A_176 = arith.constant 0 : i32
      %dma_start3A_177 = arith.constant 0 : i32
      %dma_start3A_178 = tpu.memref_slice %arg3[%dma_start3A_176, %dma_start3A_177] : memref<10000x64xi32, #tpu.memory_space<hbm>> -> memref<10000x64xi32, #tpu.memory_space<hbm>>
      tpu.enqueue_indirect_dma source(%dma_start3A_178 : memref<10000x64xi32, #tpu.memory_space<hbm>>) target(%arg13 : memref<128x64xi32, #tpu.memory_space<vmem>>) offsets(%arg11 : memref<128xi32, #tpu.memory_space<vmem>>) semaphore(%arg20 : memref<!tpu.dma_semaphore, #tpu.memory_space<semaphore_mem>>)
      %mul3A_179 = arith.constant 32 : i32
      %mul3A_180 = arith.muli %add3A_175, %mul3A_179 : i32
      %add3A_181 = arith.addi %mul3A_180, %add3A : i32
      %mul3A_182 = arith.constant 128 : i32
      %mul3A_183 = arith.muli %add3A_181, %mul3A_182 : i32
      %dma_start3A_184 = arith.constant 0 : i32
      %dma_start3A_185 = tpu.memref_slice %arg2[%mul3A_183, %dma_start3A_184] : memref<320000x128xf32, #tpu.memory_space<hbm>> -> memref<128x128xf32, #tpu.memory_space<hbm>>
      %dma_start3A_186 = arith.constant 0 : i32
      %dma_start3A_187 = tpu.memref_slice %arg2[%mul3A_183, %dma_start3A_186] : memref<320000x128xf32, #tpu.memory_space<hbm>> -> memref<128x128xf32, #tpu.memory_space<hbm>>
      tpu.enqueue_dma source(%dma_start3A_187 : memref<128x128xf32, #tpu.memory_space<hbm>>) target(%arg14 : memref<128x128xf32, #tpu.memory_space<vmem>>) target_semaphore(%arg20 : memref<!tpu.dma_semaphore, #tpu.memory_space<semaphore_mem>>)
      %dma_wait3A_188 = arith.constant 0 : i32
      %dma_wait3A_189 = arith.constant 0 : i32
      %dma_wait3A_190 = tpu.memref_slice %arg3[%dma_wait3A_188, %dma_wait3A_189] : memref<10000x64xi32, #tpu.memory_space<hbm>> -> memref<10000x64xi32, #tpu.memory_space<hbm>>
      tpu.wait_indirect_dma semaphore(%arg17 : memref<!tpu.dma_semaphore, #tpu.memory_space<semaphore_mem>>) src(%dma_wait3A_190 : memref<10000x64xi32, #tpu.memory_space<hbm>>) dst(%arg9 : memref<128x64xi32, #tpu.memory_space<vmem>>)
      %dma_wait3A_191 = arith.constant 0 : i32
      %dma_wait3A_192 = arith.constant 0 : i32
      %dma_wait3A_193 = tpu.memref_slice %arg2[%dma_wait3A_191, %dma_wait3A_192] : memref<320000x128xf32, #tpu.memory_space<hbm>> -> memref<128x128xf32, #tpu.memory_space<hbm>>
      %dma_wait3A_194 = arith.constant 0 : i32
      %dma_wait3A_195 = arith.constant 0 : i32
      %dma_wait3A_196 = tpu.memref_slice %arg2[%dma_wait3A_194, %dma_wait3A_195] : memref<320000x128xf32, #tpu.memory_space<hbm>> -> memref<128x128xf32, #tpu.memory_space<hbm>>
      tpu.wait_dma2 semaphore(%arg17 : memref<!tpu.dma_semaphore, #tpu.memory_space<semaphore_mem>>) src(%dma_wait3A_196 : memref<128x128xf32, #tpu.memory_space<hbm>>) dst(%arg10 : memref<128x128xf32, #tpu.memory_space<vmem>>)
      %scan3A_197 = arith.constant 0 : i32
      %scan3A_198 = arith.constant 0 : i32
      %scan3A_199 = arith.constant 128 : i32
      %scan3A_200 = arith.addi %scan3A_198, %scan3A_199 : i32
      %scan3A_201 = arith.constant 1 : i32
      %scan3A_202 = scf.for %scan3A_293 = %scan3A_198 to %scan3A_200 step %scan3A_201 iter_args(%scan3A_294 = %scan3A_197) -> (i32)  : i32 {
        %get3A = arith.index_cast %scan3A_293 : i32 to index
        %get3A_295 = arith.constant 0 : index
        %get3A_296 = tpu.vector_load %arg9[%get3A, %get3A_295] {strides = array<i32>} : memref<128x64xi32, #tpu.memory_space<vmem>>, vector<1x16xi32>,
        %get3A_297 = vector.shape_cast %get3A_296 : vector<1x16xi32> to vector<16xi32>
        %shift_left3A = arith.constant 16 : i32
        %shift_left3A_298 = vector.broadcast %shift_left3A : i32 to vector<16xi32>
        %shift_left3A_299 = arith.shli %get3A_297, %shift_left3A_298 : vector<16xi32>
        %bitcast_convert_type3A = tpu.bitcast %shift_left3A_299 : vector<16xi32> -> vector<16xf32>
        %and3A = arith.constant -65536 : i32
        %and3A_300 = vector.broadcast %and3A : i32 to vector<16xi32>
        %and3A_301 = arith.andi %get3A_297, %and3A_300 : vector<16xi32>
        %bitcast_convert_type3A_302 = tpu.bitcast %and3A_301 : vector<16xi32> -> vector<16xf32>
        %get3A_303 = arith.index_cast %scan3A_293 : i32 to index
        %get3A_304 = arith.constant 0 : index
        %get3A_305 = tpu.vector_load %arg10[%get3A_303, %get3A_304] {strides = array<i32>} : memref<128x128xf32, #tpu.memory_space<vmem>>, vector<1x16xf32>,
        %get3A_306 = vector.shape_cast %get3A_305 : vector<1x16xf32> to vector<16xf32>
        %mul3A_307 = arith.mulf %get3A_306, %bitcast_convert_type3A : vector<16xf32>
        %swap3A = arith.index_cast %scan3A_293 : i32 to index
        %swap3A_308 = arith.constant 0 : index
        %swap3A_309 = tpu.vector_load %arg10[%swap3A, %swap3A_308] {strides = array<i32>} : memref<128x128xf32, #tpu.memory_space<vmem>>, vector<1x16xf32>,
        %swap3A_310 = vector.shape_cast %swap3A_309 : vector<1x16xf32> to vector<16xf32>
        %swap3A_311 = vector.shape_cast %mul3A_307 : vector<16xf32> to vector<1x16xf32>
        tpu.vector_store %arg10[%swap3A, %swap3A_308], %swap3A_311 {strides = array<i32>} : memref<128x128xf32, #tpu.memory_space<vmem>>, vector<1x16xf32>,
        %get3A_312 = arith.index_cast %scan3A_293 : i32 to index
        %get3A_313 = arith.constant 16 : index
        %get3A_314 = tpu.vector_load %arg10[%get3A_312, %get3A_313] {strides = array<i32>} : memref<128x128xf32, #tpu.memory_space<vmem>>, vector<1x16xf32>,
        %get3A_315 = vector.shape_cast %get3A_314 : vector<1x16xf32> to vector<16xf32>
        %mul3A_316 = arith.mulf %get3A_315, %bitcast_convert_type3A_302 : vector<16xf32>
        %swap3A_317 = arith.index_cast %scan3A_293 : i32 to index
        %swap3A_318 = arith.constant 16 : index
        %swap3A_319 = tpu.vector_load %arg10[%swap3A_317, %swap3A_318] {strides = array<i32>} : memref<128x128xf32, #tpu.memory_space<vmem>>, vector<1x16xf32>,
        %swap3A_320 = vector.shape_cast %swap3A_319 : vector<1x16xf32> to vector<16xf32>
        %swap3A_321 = vector.shape_cast %mul3A_316 : vector<16xf32> to vector<1x16xf32>
        tpu.vector_store %arg10[%swap3A_317, %swap3A_318], %swap3A_321 {strides = array<i32>} : memref<128x128xf32, #tpu.memory_space<vmem>>, vector<1x16xf32>,
        %get3A_322 = arith.index_cast %scan3A_293 : i32 to index
        %get3A_323 = arith.constant 16 : index
        %get3A_324 = tpu.vector_load %arg9[%get3A_322, %get3A_323] {strides = array<i32>} : memref<128x64xi32, #tpu.memory_space<vmem>>, vector<1x16xi32>,
        %get3A_325 = vector.shape_cast %get3A_324 : vector<1x16xi32> to vector<16xi32>
        %shift_left3A_326 = arith.constant 16 : i32
        %shift_left3A_327 = vector.broadcast %shift_left3A_326 : i32 to vector<16xi32>
        %shift_left3A_328 = arith.shli %get3A_325, %shift_left3A_327 : vector<16xi32>
        %bitcast_convert_type3A_329 = tpu.bitcast %shift_left3A_328 : vector<16xi32> -> vector<16xf32>
        %and3A_330 = arith.constant -65536 : i32
        %and3A_331 = vector.broadcast %and3A_330 : i32 to vector<16xi32>
        %and3A_332 = arith.andi %get3A_325, %and3A_331 : vector<16xi32>
        %bitcast_convert_type3A_333 = tpu.bitcast %and3A_332 : vector<16xi32> -> vector<16xf32>
        %get3A_334 = arith.index_cast %scan3A_293 : i32 to index
        %get3A_335 = arith.constant 32 : index
        %get3A_336 = tpu.vector_load %arg10[%get3A_334, %get3A_335] {strides = array<i32>} : memref<128x128xf32, #tpu.memory_space<vmem>>, vector<1x16xf32>,
        %get3A_337 = vector.shape_cast %get3A_336 : vector<1x16xf32> to vector<16xf32>
        %mul3A_338 = arith.mulf %get3A_337, %bitcast_convert_type3A_329 : vector<16xf32>
        %swap3A_339 = arith.index_cast %scan3A_293 : i32 to index
        %swap3A_340 = arith.constant 32 : index
        %swap3A_341 = tpu.vector_load %arg10[%swap3A_339, %swap3A_340] {strides = array<i32>} : memref<128x128xf32, #tpu.memory_space<vmem>>, vector<1x16xf32>,
        %swap3A_342 = vector.shape_cast %swap3A_341 : vector<1x16xf32> to vector<16xf32>
        %swap3A_343 = vector.shape_cast %mul3A_338 : vector<16xf32> to vector<1x16xf32>
        tpu.vector_store %arg10[%swap3A_339, %swap3A_340], %swap3A_343 {strides = array<i32>} : memref<128x128xf32, #tpu.memory_space<vmem>>, vector<1x16xf32>,
        %get3A_344 = arith.index_cast %scan3A_293 : i32 to index
        %get3A_345 = arith.constant 48 : index
        %get3A_346 = tpu.vector_load %arg10[%get3A_344, %get3A_345] {strides = array<i32>} : memref<128x128xf32, #tpu.memory_space<vmem>>, vector<1x16xf32>,
        %get3A_347 = vector.shape_cast %get3A_346 : vector<1x16xf32> to vector<16xf32>
        %mul3A_348 = arith.mulf %get3A_347, %bitcast_convert_type3A_333 : vector<16xf32>
        %swap3A_349 = arith.index_cast %scan3A_293 : i32 to index
        %swap3A_350 = arith.constant 48 : index
        %swap3A_351 = tpu.vector_load %arg10[%swap3A_349, %swap3A_350] {strides = array<i32>} : memref<128x128xf32, #tpu.memory_space<vmem>>, vector<1x16xf32>,
        %swap3A_352 = vector.shape_cast %swap3A_351 : vector<1x16xf32> to vector<16xf32>
        %swap3A_353 = vector.shape_cast %mul3A_348 : vector<16xf32> to vector<1x16xf32>
        tpu.vector_store %arg10[%swap3A_349, %swap3A_350], %swap3A_353 {strides = array<i32>} : memref<128x128xf32, #tpu.memory_space<vmem>>, vector<1x16xf32>,
        %get3A_354 = arith.index_cast %scan3A_293 : i32 to index
        %get3A_355 = arith.constant 32 : index
        %get3A_356 = tpu.vector_load %arg9[%get3A_354, %get3A_355] {strides = array<i32>} : memref<128x64xi32, #tpu.memory_space<vmem>>, vector<1x16xi32>,
        %get3A_357 = vector.shape_cast %get3A_356 : vector<1x16xi32> to vector<16xi32>
        %shift_left3A_358 = arith.constant 16 : i32
        %shift_left3A_359 = vector.broadcast %shift_left3A_358 : i32 to vector<16xi32>
        %shift_left3A_360 = arith.shli %get3A_357, %shift_left3A_359 : vector<16xi32>
        %bitcast_convert_type3A_361 = tpu.bitcast %shift_left3A_360 : vector<16xi32> -> vector<16xf32>
        %and3A_362 = arith.constant -65536 : i32
        %and3A_363 = vector.broadcast %and3A_362 : i32 to vector<16xi32>
        %and3A_364 = arith.andi %get3A_357, %and3A_363 : vector<16xi32>
        %bitcast_convert_type3A_365 = tpu.bitcast %and3A_364 : vector<16xi32> -> vector<16xf32>
        %get3A_366 = arith.index_cast %scan3A_293 : i32 to index
        %get3A_367 = arith.constant 64 : index
        %get3A_368 = tpu.vector_load %arg10[%get3A_366, %get3A_367] {strides = array<i32>} : memref<128x128xf32, #tpu.memory_space<vmem>>, vector<1x16xf32>,
        %get3A_369 = vector.shape_cast %get3A_368 : vector<1x16xf32> to vector<16xf32>
        %mul3A_370 = arith.mulf %get3A_369, %bitcast_convert_type3A_361 : vector<16xf32>
        %swap3A_371 = arith.index_cast %scan3A_293 : i32 to index
        %swap3A_372 = arith.constant 64 : index
        %swap3A_373 = tpu.vector_load %arg10[%swap3A_371, %swap3A_372] {strides = array<i32>} : memref<128x128xf32, #tpu.memory_space<vmem>>, vector<1x16xf32>,
        %swap3A_374 = vector.shape_cast %swap3A_373 : vector<1x16xf32> to vector<16xf32>
        %swap3A_375 = vector.shape_cast %mul3A_370 : vector<16xf32> to vector<1x16xf32>
        tpu.vector_store %arg10[%swap3A_371, %swap3A_372], %swap3A_375 {strides = array<i32>} : memref<128x128xf32, #tpu.memory_space<vmem>>, vector<1x16xf32>,
        %get3A_376 = arith.index_cast %scan3A_293 : i32 to index
        %get3A_377 = arith.constant 80 : index
        %get3A_378 = tpu.vector_load %arg10[%get3A_376, %get3A_377] {strides = array<i32>} : memref<128x128xf32, #tpu.memory_space<vmem>>, vector<1x16xf32>,
        %get3A_379 = vector.shape_cast %get3A_378 : vector<1x16xf32> to vector<16xf32>
        %mul3A_380 = arith.mulf %get3A_379, %bitcast_convert_type3A_365 : vector<16xf32>
        %swap3A_381 = arith.index_cast %scan3A_293 : i32 to index
        %swap3A_382 = arith.constant 80 : index
        %swap3A_383 = tpu.vector_load %arg10[%swap3A_381, %swap3A_382] {strides = array<i32>} : memref<128x128xf32, #tpu.memory_space<vmem>>, vector<1x16xf32>,
        %swap3A_384 = vector.shape_cast %swap3A_383 : vector<1x16xf32> to vector<16xf32>
        %swap3A_385 = vector.shape_cast %mul3A_380 : vector<16xf32> to vector<1x16xf32>
        tpu.vector_store %arg10[%swap3A_381, %swap3A_382], %swap3A_385 {strides = array<i32>} : memref<128x128xf32, #tpu.memory_space<vmem>>, vector<1x16xf32>,
        %get3A_386 = arith.index_cast %scan3A_293 : i32 to index
        %get3A_387 = arith.constant 48 : index
        %get3A_388 = tpu.vector_load %arg9[%get3A_386, %get3A_387] {strides = array<i32>} : memref<128x64xi32, #tpu.memory_space<vmem>>, vector<1x16xi32>,
        %get3A_389 = vector.shape_cast %get3A_388 : vector<1x16xi32> to vector<16xi32>
        %shift_left3A_390 = arith.constant 16 : i32
        %shift_left3A_391 = vector.broadcast %shift_left3A_390 : i32 to vector<16xi32>
        %shift_left3A_392 = arith.shli %get3A_389, %shift_left3A_391 : vector<16xi32>
        %bitcast_convert_type3A_393 = tpu.bitcast %shift_left3A_392 : vector<16xi32> -> vector<16xf32>
        %and3A_394 = arith.constant -65536 : i32
        %and3A_395 = vector.broadcast %and3A_394 : i32 to vector<16xi32>
        %and3A_396 = arith.andi %get3A_389, %and3A_395 : vector<16xi32>
        %bitcast_convert_type3A_397 = tpu.bitcast %and3A_396 : vector<16xi32> -> vector<16xf32>
        %get3A_398 = arith.index_cast %scan3A_293 : i32 to index
        %get3A_399 = arith.constant 96 : index
        %get3A_400 = tpu.vector_load %arg10[%get3A_398, %get3A_399] {strides = array<i32>} : memref<128x128xf32, #tpu.memory_space<vmem>>, vector<1x16xf32>,
        %get3A_401 = vector.shape_cast %get3A_400 : vector<1x16xf32> to vector<16xf32>
        %mul3A_402 = arith.mulf %get3A_401, %bitcast_convert_type3A_393 : vector<16xf32>
        %swap3A_403 = arith.index_cast %scan3A_293 : i32 to index
        %swap3A_404 = arith.constant 96 : index
        %swap3A_405 = tpu.vector_load %arg10[%swap3A_403, %swap3A_404] {strides = array<i32>} : memref<128x128xf32, #tpu.memory_space<vmem>>, vector<1x16xf32>,
        %swap3A_406 = vector.shape_cast %swap3A_405 : vector<1x16xf32> to vector<16xf32>
        %swap3A_407 = vector.shape_cast %mul3A_402 : vector<16xf32> to vector<1x16xf32>
        tpu.vector_store %arg10[%swap3A_403, %swap3A_404], %swap3A_407 {strides = array<i32>} : memref<128x128xf32, #tpu.memory_space<vmem>>, vector<1x16xf32>,
        %get3A_408 = arith.index_cast %scan3A_293 : i32 to index
        %get3A_409 = arith.constant 112 : index
        %get3A_410 = tpu.vector_load %arg10[%get3A_408, %get3A_409] {strides = array<i32>} : memref<128x128xf32, #tpu.memory_space<vmem>>, vector<1x16xf32>,
        %get3A_411 = vector.shape_cast %get3A_410 : vector<1x16xf32> to vector<16xf32>
        %mul3A_412 = arith.mulf %get3A_411, %bitcast_convert_type3A_397 : vector<16xf32>
        %swap3A_413 = arith.index_cast %scan3A_293 : i32 to index
        %swap3A_414 = arith.constant 112 : index
        %swap3A_415 = tpu.vector_load %arg10[%swap3A_413, %swap3A_414] {strides = array<i32>} : memref<128x128xf32, #tpu.memory_space<vmem>>, vector<1x16xf32>,
        %swap3A_416 = vector.shape_cast %swap3A_415 : vector<1x16xf32> to vector<16xf32>
        %swap3A_417 = vector.shape_cast %mul3A_412 : vector<16xf32> to vector<1x16xf32>
        tpu.vector_store %arg10[%swap3A_413, %swap3A_414], %swap3A_417 {strides = array<i32>} : memref<128x128xf32, #tpu.memory_space<vmem>>, vector<1x16xf32>,
        %scan3A_418 = arith.constant 0 : i32
        scf.yield %scan3A_418 : i32
      }
      %scan3A_203 = arith.constant 128 : i32
      %dma_start3A_204 = arith.constant 0 : i32
      %dma_start3A_205 = arith.constant 0 : i32
      %dma_start3A_206 = tpu.memref_slice %arg15[%dma_start3A_204, %dma_start3A_205] : memref<10112x128xf32, #tpu.memory_space<vmem_shared>> -> memref<10112x128xf32, #tpu.memory_space<vmem_shared>>
      tpu.enqueue_indirect_dma source(%arg10 : memref<128x128xf32, #tpu.memory_space<vmem>>) target(%dma_start3A_206 : memref<10112x128xf32, #tpu.memory_space<vmem_shared>>) offsets(%arg8 : memref<128xi32, #tpu.memory_space<vmem>>) semaphore(%arg18 : memref<!tpu.dma_semaphore, #tpu.memory_space<semaphore_mem>>) {add = true}
      %dma_wait3A_207 = arith.constant 0 : i32
      %dma_wait3A_208 = arith.constant 0 : i32
      %dma_wait3A_209 = tpu.memref_slice %arg3[%dma_wait3A_207, %dma_wait3A_208] : memref<10000x64xi32, #tpu.memory_space<hbm>> -> memref<10000x64xi32, #tpu.memory_space<hbm>>
      tpu.wait_indirect_dma semaphore(%arg20 : memref<!tpu.dma_semaphore, #tpu.memory_space<semaphore_mem>>) src(%dma_wait3A_209 : memref<10000x64xi32, #tpu.memory_space<hbm>>) dst(%arg13 : memref<128x64xi32, #tpu.memory_space<vmem>>)
      %dma_wait3A_210 = arith.constant 0 : i32
      %dma_wait3A_211 = arith.constant 0 : i32
      %dma_wait3A_212 = tpu.memref_slice %arg2[%dma_wait3A_210, %dma_wait3A_211] : memref<320000x128xf32, #tpu.memory_space<hbm>> -> memref<128x128xf32, #tpu.memory_space<hbm>>
      %dma_wait3A_213 = arith.constant 0 : i32
      %dma_wait3A_214 = arith.constant 0 : i32
      %dma_wait3A_215 = tpu.memref_slice %arg2[%dma_wait3A_213, %dma_wait3A_214] : memref<320000x128xf32, #tpu.memory_space<hbm>> -> memref<128x128xf32, #tpu.memory_space<hbm>>
      tpu.wait_dma2 semaphore(%arg20 : memref<!tpu.dma_semaphore, #tpu.memory_space<semaphore_mem>>) src(%dma_wait3A_215 : memref<128x128xf32, #tpu.memory_space<hbm>>) dst(%arg14 : memref<128x128xf32, #tpu.memory_space<vmem>>)
      %scan3A_216 = arith.constant 0 : i32
      %scan3A_217 = arith.constant 0 : i32
      %scan3A_218 = arith.constant 128 : i32
      %scan3A_219 = arith.addi %scan3A_217, %scan3A_218 : i32
      %scan3A_220 = arith.constant 1 : i32
      %scan3A_221 = scf.for %scan3A_293 = %scan3A_217 to %scan3A_219 step %scan3A_220 iter_args(%scan3A_294 = %scan3A_216) -> (i32)  : i32 {
        %get3A = arith.index_cast %scan3A_293 : i32 to index
        %get3A_295 = arith.constant 0 : index
        %get3A_296 = tpu.vector_load %arg13[%get3A, %get3A_295] {strides = array<i32>} : memref<128x64xi32, #tpu.memory_space<vmem>>, vector<1x16xi32>,
        %get3A_297 = vector.shape_cast %get3A_296 : vector<1x16xi32> to vector<16xi32>
        %shift_left3A = arith.constant 16 : i32
        %shift_left3A_298 = vector.broadcast %shift_left3A : i32 to vector<16xi32>
        %shift_left3A_299 = arith.shli %get3A_297, %shift_left3A_298 : vector<16xi32>
        %bitcast_convert_type3A = tpu.bitcast %shift_left3A_299 : vector<16xi32> -> vector<16xf32>
        %and3A = arith.constant -65536 : i32
        %and3A_300 = vector.broadcast %and3A : i32 to vector<16xi32>
        %and3A_301 = arith.andi %get3A_297, %and3A_300 : vector<16xi32>
        %bitcast_convert_type3A_302 = tpu.bitcast %and3A_301 : vector<16xi32> -> vector<16xf32>
        %get3A_303 = arith.index_cast %scan3A_293 : i32 to index
        %get3A_304 = arith.constant 0 : index
        %get3A_305 = tpu.vector_load %arg14[%get3A_303, %get3A_304] {strides = array<i32>} : memref<128x128xf32, #tpu.memory_space<vmem>>, vector<1x16xf32>,
        %get3A_306 = vector.shape_cast %get3A_305 : vector<1x16xf32> to vector<16xf32>
        %mul3A_307 = arith.mulf %get3A_306, %bitcast_convert_type3A : vector<16xf32>
        %swap3A = arith.index_cast %scan3A_293 : i32 to index
        %swap3A_308 = arith.constant 0 : index
        %swap3A_309 = tpu.vector_load %arg14[%swap3A, %swap3A_308] {strides = array<i32>} : memref<128x128xf32, #tpu.memory_space<vmem>>, vector<1x16xf32>,
        %swap3A_310 = vector.shape_cast %swap3A_309 : vector<1x16xf32> to vector<16xf32>
        %swap3A_311 = vector.shape_cast %mul3A_307 : vector<16xf32> to vector<1x16xf32>
        tpu.vector_store %arg14[%swap3A, %swap3A_308], %swap3A_311 {strides = array<i32>} : memref<128x128xf32, #tpu.memory_space<vmem>>, vector<1x16xf32>,
        %get3A_312 = arith.index_cast %scan3A_293 : i32 to index
        %get3A_313 = arith.constant 16 : index
        %get3A_314 = tpu.vector_load %arg14[%get3A_312, %get3A_313] {strides = array<i32>} : memref<128x128xf32, #tpu.memory_space<vmem>>, vector<1x16xf32>,
        %get3A_315 = vector.shape_cast %get3A_314 : vector<1x16xf32> to vector<16xf32>
        %mul3A_316 = arith.mulf %get3A_315, %bitcast_convert_type3A_302 : vector<16xf32>
        %swap3A_317 = arith.index_cast %scan3A_293 : i32 to index
        %swap3A_318 = arith.constant 16 : index
        %swap3A_319 = tpu.vector_load %arg14[%swap3A_317, %swap3A_318] {strides = array<i32>} : memref<128x128xf32, #tpu.memory_space<vmem>>, vector<1x16xf32>,
        %swap3A_320 = vector.shape_cast %swap3A_319 : vector<1x16xf32> to vector<16xf32>
        %swap3A_321 = vector.shape_cast %mul3A_316 : vector<16xf32> to vector<1x16xf32>
        tpu.vector_store %arg14[%swap3A_317, %swap3A_318], %swap3A_321 {strides = array<i32>} : memref<128x128xf32, #tpu.memory_space<vmem>>, vector<1x16xf32>,
        %get3A_322 = arith.index_cast %scan3A_293 : i32 to index
        %get3A_323 = arith.constant 16 : index
        %get3A_324 = tpu.vector_load %arg13[%get3A_322, %get3A_323] {strides = array<i32>} : memref<128x64xi32, #tpu.memory_space<vmem>>, vector<1x16xi32>,
        %get3A_325 = vector.shape_cast %get3A_324 : vector<1x16xi32> to vector<16xi32>
        %shift_left3A_326 = arith.constant 16 : i32
        %shift_left3A_327 = vector.broadcast %shift_left3A_326 : i32 to vector<16xi32>
        %shift_left3A_328 = arith.shli %get3A_325, %shift_left3A_327 : vector<16xi32>
        %bitcast_convert_type3A_329 = tpu.bitcast %shift_left3A_328 : vector<16xi32> -> vector<16xf32>
        %and3A_330 = arith.constant -65536 : i32
        %and3A_331 = vector.broadcast %and3A_330 : i32 to vector<16xi32>
        %and3A_332 = arith.andi %get3A_325, %and3A_331 : vector<16xi32>
        %bitcast_convert_type3A_333 = tpu.bitcast %and3A_332 : vector<16xi32> -> vector<16xf32>
        %get3A_334 = arith.index_cast %scan3A_293 : i32 to index
        %get3A_335 = arith.constant 32 : index
        %get3A_336 = tpu.vector_load %arg14[%get3A_334, %get3A_335] {strides = array<i32>} : memref<128x128xf32, #tpu.memory_space<vmem>>, vector<1x16xf32>,
        %get3A_337 = vector.shape_cast %get3A_336 : vector<1x16xf32> to vector<16xf32>
        %mul3A_338 = arith.mulf %get3A_337, %bitcast_convert_type3A_329 : vector<16xf32>
        %swap3A_339 = arith.index_cast %scan3A_293 : i32 to index
        %swap3A_340 = arith.constant 32 : index
        %swap3A_341 = tpu.vector_load %arg14[%swap3A_339, %swap3A_340] {strides = array<i32>} : memref<128x128xf32, #tpu.memory_space<vmem>>, vector<1x16xf32>,
        %swap3A_342 = vector.shape_cast %swap3A_341 : vector<1x16xf32> to vector<16xf32>
        %swap3A_343 = vector.shape_cast %mul3A_338 : vector<16xf32> to vector<1x16xf32>
        tpu.vector_store %arg14[%swap3A_339, %swap3A_340], %swap3A_343 {strides = array<i32>} : memref<128x128xf32, #tpu.memory_space<vmem>>, vector<1x16xf32>,
        %get3A_344 = arith.index_cast %scan3A_293 : i32 to index
        %get3A_345 = arith.constant 48 : index
        %get3A_346 = tpu.vector_load %arg14[%get3A_344, %get3A_345] {strides = array<i32>} : memref<128x128xf32, #tpu.memory_space<vmem>>, vector<1x16xf32>,
        %get3A_347 = vector.shape_cast %get3A_346 : vector<1x16xf32> to vector<16xf32>
        %mul3A_348 = arith.mulf %get3A_347, %bitcast_convert_type3A_333 : vector<16xf32>
        %swap3A_349 = arith.index_cast %scan3A_293 : i32 to index
        %swap3A_350 = arith.constant 48 : index
        %swap3A_351 = tpu.vector_load %arg14[%swap3A_349, %swap3A_350] {strides = array<i32>} : memref<128x128xf32, #tpu.memory_space<vmem>>, vector<1x16xf32>,
        %swap3A_352 = vector.shape_cast %swap3A_351 : vector<1x16xf32> to vector<16xf32>
        %swap3A_353 = vector.shape_cast %mul3A_348 : vector<16xf32> to vector<1x16xf32>
        tpu.vector_store %arg14[%swap3A_349, %swap3A_350], %swap3A_353 {strides = array<i32>} : memref<128x128xf32, #tpu.memory_space<vmem>>, vector<1x16xf32>,
        %get3A_354 = arith.index_cast %scan3A_293 : i32 to index
        %get3A_355 = arith.constant 32 : index
        %get3A_356 = tpu.vector_load %arg13[%get3A_354, %get3A_355] {strides = array<i32>} : memref<128x64xi32, #tpu.memory_space<vmem>>, vector<1x16xi32>,
        %get3A_357 = vector.shape_cast %get3A_356 : vector<1x16xi32> to vector<16xi32>
        %shift_left3A_358 = arith.constant 16 : i32
        %shift_left3A_359 = vector.broadcast %shift_left3A_358 : i32 to vector<16xi32>
        %shift_left3A_360 = arith.shli %get3A_357, %shift_left3A_359 : vector<16xi32>
        %bitcast_convert_type3A_361 = tpu.bitcast %shift_left3A_360 : vector<16xi32> -> vector<16xf32>
        %and3A_362 = arith.constant -65536 : i32
        %and3A_363 = vector.broadcast %and3A_362 : i32 to vector<16xi32>
        %and3A_364 = arith.andi %get3A_357, %and3A_363 : vector<16xi32>
        %bitcast_convert_type3A_365 = tpu.bitcast %and3A_364 : vector<16xi32> -> vector<16xf32>
        %get3A_366 = arith.index_cast %scan3A_293 : i32 to index
        %get3A_367 = arith.constant 64 : index
        %get3A_368 = tpu.vector_load %arg14[%get3A_366, %get3A_367] {strides = array<i32>} : memref<128x128xf32, #tpu.memory_space<vmem>>, vector<1x16xf32>,
        %get3A_369 = vector.shape_cast %get3A_368 : vector<1x16xf32> to vector<16xf32>
        %mul3A_370 = arith.mulf %get3A_369, %bitcast_convert_type3A_361 : vector<16xf32>
        %swap3A_371 = arith.index_cast %scan3A_293 : i32 to index
        %swap3A_372 = arith.constant 64 : index
        %swap3A_373 = tpu.vector_load %arg14[%swap3A_371, %swap3A_372] {strides = array<i32>} : memref<128x128xf32, #tpu.memory_space<vmem>>, vector<1x16xf32>,
        %swap3A_374 = vector.shape_cast %swap3A_373 : vector<1x16xf32> to vector<16xf32>
        %swap3A_375 = vector.shape_cast %mul3A_370 : vector<16xf32> to vector<1x16xf32>
        tpu.vector_store %arg14[%swap3A_371, %swap3A_372], %swap3A_375 {strides = array<i32>} : memref<128x128xf32, #tpu.memory_space<vmem>>, vector<1x16xf32>,
        %get3A_376 = arith.index_cast %scan3A_293 : i32 to index
        %get3A_377 = arith.constant 80 : index
        %get3A_378 = tpu.vector_load %arg14[%get3A_376, %get3A_377] {strides = array<i32>} : memref<128x128xf32, #tpu.memory_space<vmem>>, vector<1x16xf32>,
        %get3A_379 = vector.shape_cast %get3A_378 : vector<1x16xf32> to vector<16xf32>
        %mul3A_380 = arith.mulf %get3A_379, %bitcast_convert_type3A_365 : vector<16xf32>
        %swap3A_381 = arith.index_cast %scan3A_293 : i32 to index
        %swap3A_382 = arith.constant 80 : index
        %swap3A_383 = tpu.vector_load %arg14[%swap3A_381, %swap3A_382] {strides = array<i32>} : memref<128x128xf32, #tpu.memory_space<vmem>>, vector<1x16xf32>,
        %swap3A_384 = vector.shape_cast %swap3A_383 : vector<1x16xf32> to vector<16xf32>
        %swap3A_385 = vector.shape_cast %mul3A_380 : vector<16xf32> to vector<1x16xf32>
        tpu.vector_store %arg14[%swap3A_381, %swap3A_382], %swap3A_385 {strides = array<i32>} : memref<128x128xf32, #tpu.memory_space<vmem>>, vector<1x16xf32>,
        %get3A_386 = arith.index_cast %scan3A_293 : i32 to index
        %get3A_387 = arith.constant 48 : index
        %get3A_388 = tpu.vector_load %arg13[%get3A_386, %get3A_387] {strides = array<i32>} : memref<128x64xi32, #tpu.memory_space<vmem>>, vector<1x16xi32>,
        %get3A_389 = vector.shape_cast %get3A_388 : vector<1x16xi32> to vector<16xi32>
        %shift_left3A_390 = arith.constant 16 : i32
        %shift_left3A_391 = vector.broadcast %shift_left3A_390 : i32 to vector<16xi32>
        %shift_left3A_392 = arith.shli %get3A_389, %shift_left3A_391 : vector<16xi32>
        %bitcast_convert_type3A_393 = tpu.bitcast %shift_left3A_392 : vector<16xi32> -> vector<16xf32>
        %and3A_394 = arith.constant -65536 : i32
        %and3A_395 = vector.broadcast %and3A_394 : i32 to vector<16xi32>
        %and3A_396 = arith.andi %get3A_389, %and3A_395 : vector<16xi32>
        %bitcast_convert_type3A_397 = tpu.bitcast %and3A_396 : vector<16xi32> -> vector<16xf32>
        %get3A_398 = arith.index_cast %scan3A_293 : i32 to index
        %get3A_399 = arith.constant 96 : index
        %get3A_400 = tpu.vector_load %arg14[%get3A_398, %get3A_399] {strides = array<i32>} : memref<128x128xf32, #tpu.memory_space<vmem>>, vector<1x16xf32>,
        %get3A_401 = vector.shape_cast %get3A_400 : vector<1x16xf32> to vector<16xf32>
        %mul3A_402 = arith.mulf %get3A_401, %bitcast_convert_type3A_393 : vector<16xf32>
        %swap3A_403 = arith.index_cast %scan3A_293 : i32 to index
        %swap3A_404 = arith.constant 96 : index
        %swap3A_405 = tpu.vector_load %arg14[%swap3A_403, %swap3A_404] {strides = array<i32>} : memref<128x128xf32, #tpu.memory_space<vmem>>, vector<1x16xf32>,
        %swap3A_406 = vector.shape_cast %swap3A_405 : vector<1x16xf32> to vector<16xf32>
        %swap3A_407 = vector.shape_cast %mul3A_402 : vector<16xf32> to vector<1x16xf32>
        tpu.vector_store %arg14[%swap3A_403, %swap3A_404], %swap3A_407 {strides = array<i32>} : memref<128x128xf32, #tpu.memory_space<vmem>>, vector<1x16xf32>,
        %get3A_408 = arith.index_cast %scan3A_293 : i32 to index
        %get3A_409 = arith.constant 112 : index
        %get3A_410 = tpu.vector_load %arg14[%get3A_408, %get3A_409] {strides = array<i32>} : memref<128x128xf32, #tpu.memory_space<vmem>>, vector<1x16xf32>,
        %get3A_411 = vector.shape_cast %get3A_410 : vector<1x16xf32> to vector<16xf32>
        %mul3A_412 = arith.mulf %get3A_411, %bitcast_convert_type3A_397 : vector<16xf32>
        %swap3A_413 = arith.index_cast %scan3A_293 : i32 to index
        %swap3A_414 = arith.constant 112 : index
        %swap3A_415 = tpu.vector_load %arg14[%swap3A_413, %swap3A_414] {strides = array<i32>} : memref<128x128xf32, #tpu.memory_space<vmem>>, vector<1x16xf32>,
        %swap3A_416 = vector.shape_cast %swap3A_415 : vector<1x16xf32> to vector<16xf32>
        %swap3A_417 = vector.shape_cast %mul3A_412 : vector<16xf32> to vector<1x16xf32>
        tpu.vector_store %arg14[%swap3A_413, %swap3A_414], %swap3A_417 {strides = array<i32>} : memref<128x128xf32, #tpu.memory_space<vmem>>, vector<1x16xf32>,
        %scan3A_418 = arith.constant 0 : i32
        scf.yield %scan3A_418 : i32
      }
      %scan3A_222 = arith.constant 128 : i32
      %dma_wait3A_223 = arith.constant 0 : i32
      %dma_wait3A_224 = arith.constant 0 : i32
      %dma_wait3A_225 = tpu.memref_slice %arg15[%dma_wait3A_223, %dma_wait3A_224] : memref<10112x128xf32, #tpu.memory_space<vmem_shared>> -> memref<10112x128xf32, #tpu.memory_space<vmem_shared>>
      tpu.wait_indirect_dma semaphore(%arg18 : memref<!tpu.dma_semaphore, #tpu.memory_space<semaphore_mem>>) src(%arg10 : memref<128x128xf32, #tpu.memory_space<vmem>>) dst(%dma_wait3A_225 : memref<10112x128xf32, #tpu.memory_space<vmem_shared>>)
      %mul3A_226 = arith.constant 2 : i32
      %mul3A_227 = arith.muli %mul3A_226, %scan3A_162 : i32
      %add3A_228 = arith.constant 2 : i32
      %add3A_229 = arith.addi %mul3A_227, %add3A_228 : i32
      %mul3A_230 = arith.constant 32 : i32
      %mul3A_231 = arith.muli %add3A_229, %mul3A_230 : i32
      %add3A_232 = arith.addi %mul3A_231, %add3A : i32
      %mul3A_233 = arith.constant 128 : i32
      %mul3A_234 = arith.muli %add3A_232, %mul3A_233 : i32
      %dma_start3A_235 = tpu.memref_slice %arg5[%mul3A_234] : memref<320000xi32, #tpu.memory_space<hbm>> -> memref<128xi32, #tpu.memory_space<hbm>>
      %dma_start3A_236 = tpu.memref_slice %arg5[%mul3A_234] : memref<320000xi32, #tpu.memory_space<hbm>> -> memref<128xi32, #tpu.memory_space<hbm>>
      tpu.enqueue_dma source(%dma_start3A_236 : memref<128xi32, #tpu.memory_space<hbm>>) target(%arg7 : memref<128xi32, #tpu.memory_space<vmem>>) target_semaphore(%arg16 : memref<!tpu.dma_semaphore, #tpu.memory_space<semaphore_mem>>)
      %mul3A_237 = arith.constant 32 : i32
      %mul3A_238 = arith.muli %add3A_229, %mul3A_237 : i32
      %add3A_239 = arith.addi %mul3A_238, %add3A : i32
      %mul3A_240 = arith.constant 128 : i32
      %mul3A_241 = arith.muli %add3A_239, %mul3A_240 : i32
      %dma_start3A_242 = tpu.memref_slice %arg4[%mul3A_241] : memref<320000xi32, #tpu.memory_space<hbm>> -> memref<128xi32, #tpu.memory_space<hbm>>
      %dma_start3A_243 = tpu.memref_slice %arg4[%mul3A_241] : memref<320000xi32, #tpu.memory_space<hbm>> -> memref<128xi32, #tpu.memory_space<hbm>>
      tpu.enqueue_dma source(%dma_start3A_243 : memref<128xi32, #tpu.memory_space<hbm>>) target(%arg8 : memref<128xi32, #tpu.memory_space<vmem>>) target_semaphore(%arg16 : memref<!tpu.dma_semaphore, #tpu.memory_space<semaphore_mem>>)
      %dma_wait3A_244 = arith.constant 0 : i32
      %dma_wait3A_245 = tpu.memref_slice %arg5[%dma_wait3A_244] : memref<320000xi32, #tpu.memory_space<hbm>> -> memref<128xi32, #tpu.memory_space<hbm>>
      %dma_wait3A_246 = arith.constant 0 : i32
      %dma_wait3A_247 = tpu.memref_slice %arg5[%dma_wait3A_246] : memref<320000xi32, #tpu.memory_space<hbm>> -> memref<128xi32, #tpu.memory_space<hbm>>
      tpu.wait_dma2 semaphore(%arg16 : memref<!tpu.dma_semaphore, #tpu.memory_space<semaphore_mem>>) src(%dma_wait3A_247 : memref<128xi32, #tpu.memory_space<hbm>>) dst(%arg7 : memref<128xi32, #tpu.memory_space<vmem>>)
      %dma_wait3A_248 = arith.constant 0 : i32
      %dma_wait3A_249 = tpu.memref_slice %arg4[%dma_wait3A_248] : memref<320000xi32, #tpu.memory_space<hbm>> -> memref<128xi32, #tpu.memory_space<hbm>>
      %dma_wait3A_250 = arith.constant 0 : i32
      %dma_wait3A_251 = tpu.memref_slice %arg4[%dma_wait3A_250] : memref<320000xi32, #tpu.memory_space<hbm>> -> memref<128xi32, #tpu.memory_space<hbm>>
      tpu.wait_dma2 semaphore(%arg16 : memref<!tpu.dma_semaphore, #tpu.memory_space<semaphore_mem>>) src(%dma_wait3A_251 : memref<128xi32, #tpu.memory_space<hbm>>) dst(%arg8 : memref<128xi32, #tpu.memory_space<vmem>>)
      %mul3A_252 = arith.constant 2 : i32
      %mul3A_253 = arith.muli %mul3A_252, %scan3A_162 : i32
      %add3A_254 = arith.constant 2 : i32
      %add3A_255 = arith.addi %mul3A_253, %add3A_254 : i32
      %dma_start3A_256 = arith.constant 0 : i32
      %dma_start3A_257 = arith.constant 0 : i32
      %dma_start3A_258 = tpu.memref_slice %arg3[%dma_start3A_256, %dma_start3A_257] : memref<10000x64xi32, #tpu.memory_space<hbm>> -> memref<10000x64xi32, #tpu.memory_space<hbm>>
      tpu.enqueue_indirect_dma source(%dma_start3A_258 : memref<10000x64xi32, #tpu.memory_space<hbm>>) target(%arg9 : memref<128x64xi32, #tpu.memory_space<vmem>>) offsets(%arg7 : memref<128xi32, #tpu.memory_space<vmem>>) semaphore(%arg17 : memref<!tpu.dma_semaphore, #tpu.memory_space<semaphore_mem>>)
      %mul3A_259 = arith.constant 32 : i32
      %mul3A_260 = arith.muli %add3A_255, %mul3A_259 : i32
      %add3A_261 = arith.addi %mul3A_260, %add3A : i32
      %mul3A_262 = arith.constant 128 : i32
      %mul3A_263 = arith.muli %add3A_261, %mul3A_262 : i32
      %dma_start3A_264 = arith.constant 0 : i32
      %dma_start3A_265 = tpu.memref_slice %arg2[%mul3A_263, %dma_start3A_264] : memref<320000x128xf32, #tpu.memory_space<hbm>> -> memref<128x128xf32, #tpu.memory_space<hbm>>
      %dma_start3A_266 = arith.constant 0 : i32
      %dma_start3A_267 = tpu.memref_slice %arg2[%mul3A_263, %dma_start3A_266] : memref<320000x128xf32, #tpu.memory_space<hbm>> -> memref<128x128xf32, #tpu.memory_space<hbm>>
      tpu.enqueue_dma source(%dma_start3A_267 : memref<128x128xf32, #tpu.memory_space<hbm>>) target(%arg10 : memref<128x128xf32, #tpu.memory_space<vmem>>) target_semaphore(%arg17 : memref<!tpu.dma_semaphore, #tpu.memory_space<semaphore_mem>>)
      %dma_start3A_268 = arith.constant 0 : i32
      %dma_start3A_269 = arith.constant 0 : i32
      %dma_start3A_270 = tpu.memref_slice %arg15[%dma_start3A_268, %dma_start3A_269] : memref<10112x128xf32, #tpu.memory_space<vmem_shared>> -> memref<10112x128xf32, #tpu.memory_space<vmem_shared>>
      tpu.enqueue_indirect_dma source(%arg14 : memref<128x128xf32, #tpu.memory_space<vmem>>) target(%dma_start3A_270 : memref<10112x128xf32, #tpu.memory_space<vmem_shared>>) offsets(%arg12 : memref<128xi32, #tpu.memory_space<vmem>>) semaphore(%arg21 : memref<!tpu.dma_semaphore, #tpu.memory_space<semaphore_mem>>) {add = true}
      %dma_wait3A_271 = arith.constant 0 : i32
      %dma_wait3A_272 = arith.constant 0 : i32
      %dma_wait3A_273 = tpu.memref_slice %arg15[%dma_wait3A_271, %dma_wait3A_272] : memref<10112x128xf32, #tpu.memory_space<vmem_shared>> -> memref<10112x128xf32, #tpu.memory_space<vmem_shared>>
      tpu.wait_indirect_dma semaphore(%arg21 : memref<!tpu.dma_semaphore, #tpu.memory_space<semaphore_mem>>) src(%arg14 : memref<128x128xf32, #tpu.memory_space<vmem>>) dst(%dma_wait3A_273 : memref<10112x128xf32, #tpu.memory_space<vmem_shared>>)
      %mul3A_274 = arith.constant 2 : i32
      %mul3A_275 = arith.muli %mul3A_274, %scan3A_162 : i32
      %add3A_276 = arith.constant 3 : i32
      %add3A_277 = arith.addi %mul3A_275, %add3A_276 : i32
      %mul3A_278 = arith.constant 32 : i32
      %mul3A_279 = arith.muli %add3A_277, %mul3A_278 : i32
      %add3A_280 = arith.addi %mul3A_279, %add3A : i32
      %mul3A_281 = arith.constant 128 : i32
      %mul3A_282 = arith.muli %add3A_280, %mul3A_281 : i32
      %dma_start3A_283 = tpu.memref_slice %arg5[%mul3A_282] : memref<320000xi32, #tpu.memory_space<hbm>> -> memref<128xi32, #tpu.memory_space<hbm>>
      %dma_start3A_284 = tpu.memref_slice %arg5[%mul3A_282] : memref<320000xi32, #tpu.memory_space<hbm>> -> memref<128xi32, #tpu.memory_space<hbm>>
      tpu.enqueue_dma source(%dma_start3A_284 : memref<128xi32, #tpu.memory_space<hbm>>) target(%arg11 : memref<128xi32, #tpu.memory_space<vmem>>) target_semaphore(%arg19 : memref<!tpu.dma_semaphore, #tpu.memory_space<semaphore_mem>>)
      %mul3A_285 = arith.constant 32 : i32
      %mul3A_286 = arith.muli %add3A_277, %mul3A_285 : i32
      %add3A_287 = arith.addi %mul3A_286, %add3A : i32
      %mul3A_288 = arith.constant 128 : i32
      %mul3A_289 = arith.muli %add3A_287, %mul3A_288 : i32
      %dma_start3A_290 = tpu.memref_slice %arg4[%mul3A_289] : memref<320000xi32, #tpu.memory_space<hbm>> -> memref<128xi32, #tpu.memory_space<hbm>>
      %dma_start3A_291 = tpu.memref_slice %arg4[%mul3A_289] : memref<320000xi32, #tpu.memory_space<hbm>> -> memref<128xi32, #tpu.memory_space<hbm>>
      tpu.enqueue_dma source(%dma_start3A_291 : memref<128xi32, #tpu.memory_space<hbm>>) target(%arg12 : memref<128xi32, #tpu.memory_space<vmem>>) target_semaphore(%arg19 : memref<!tpu.dma_semaphore, #tpu.memory_space<semaphore_mem>>)
      %scan3A_292 = arith.constant 0 : i32
      scf.yield %scan3A_292 : i32
    }
    %scan3A_75 = arith.constant 38 : i32
    %dma_wait3A_76 = arith.constant 0 : i32
    %dma_wait3A_77 = tpu.memref_slice %arg5[%dma_wait3A_76] : memref<320000xi32, #tpu.memory_space<hbm>> -> memref<128xi32, #tpu.memory_space<hbm>>
    %dma_wait3A_78 = arith.constant 0 : i32
    %dma_wait3A_79 = tpu.memref_slice %arg5[%dma_wait3A_78] : memref<320000xi32, #tpu.memory_space<hbm>> -> memref<128xi32, #tpu.memory_space<hbm>>
    tpu.wait_dma2 semaphore(%arg19 : memref<!tpu.dma_semaphore, #tpu.memory_space<semaphore_mem>>) src(%dma_wait3A_79 : memref<128xi32, #tpu.memory_space<hbm>>) dst(%arg11 : memref<128xi32, #tpu.memory_space<vmem>>)
    %dma_wait3A_80 = arith.constant 0 : i32
    %dma_wait3A_81 = tpu.memref_slice %arg4[%dma_wait3A_80] : memref<320000xi32, #tpu.memory_space<hbm>> -> memref<128xi32, #tpu.memory_space<hbm>>
    %dma_wait3A_82 = arith.constant 0 : i32
    %dma_wait3A_83 = tpu.memref_slice %arg4[%dma_wait3A_82] : memref<320000xi32, #tpu.memory_space<hbm>> -> memref<128xi32, #tpu.memory_space<hbm>>
    tpu.wait_dma2 semaphore(%arg19 : memref<!tpu.dma_semaphore, #tpu.memory_space<semaphore_mem>>) src(%dma_wait3A_83 : memref<128xi32, #tpu.memory_space<hbm>>) dst(%arg12 : memref<128xi32, #tpu.memory_space<vmem>>)
    %dma_start3A_84 = arith.constant 0 : i32
    %dma_start3A_85 = arith.constant 0 : i32
    %dma_start3A_86 = tpu.memref_slice %arg3[%dma_start3A_84, %dma_start3A_85] : memref<10000x64xi32, #tpu.memory_space<hbm>> -> memref<10000x64xi32, #tpu.memory_space<hbm>>
    tpu.enqueue_indirect_dma source(%dma_start3A_86 : memref<10000x64xi32, #tpu.memory_space<hbm>>) target(%arg13 : memref<128x64xi32, #tpu.memory_space<vmem>>) offsets(%arg11 : memref<128xi32, #tpu.memory_space<vmem>>) semaphore(%arg20 : memref<!tpu.dma_semaphore, #tpu.memory_space<semaphore_mem>>)
    %add3A_87 = arith.constant 2464 : i32
    %add3A_88 = arith.addi %add3A_87, %add3A : i32
    %mul3A_89 = arith.constant 128 : i32
    %mul3A_90 = arith.muli %add3A_88, %mul3A_89 : i32
    %dma_start3A_91 = arith.constant 0 : i32
    %dma_start3A_92 = tpu.memref_slice %arg2[%mul3A_90, %dma_start3A_91] : memref<320000x128xf32, #tpu.memory_space<hbm>> -> memref<128x128xf32, #tpu.memory_space<hbm>>
    %dma_start3A_93 = arith.constant 0 : i32
    %dma_start3A_94 = tpu.memref_slice %arg2[%mul3A_90, %dma_start3A_93] : memref<320000x128xf32, #tpu.memory_space<hbm>> -> memref<128x128xf32, #tpu.memory_space<hbm>>
    tpu.enqueue_dma source(%dma_start3A_94 : memref<128x128xf32, #tpu.memory_space<hbm>>) target(%arg14 : memref<128x128xf32, #tpu.memory_space<vmem>>) target_semaphore(%arg20 : memref<!tpu.dma_semaphore, #tpu.memory_space<semaphore_mem>>)
    %dma_wait3A_95 = arith.constant 0 : i32
    %dma_wait3A_96 = arith.constant 0 : i32
    %dma_wait3A_97 = tpu.memref_slice %arg3[%dma_wait3A_95, %dma_wait3A_96] : memref<10000x64xi32, #tpu.memory_space<hbm>> -> memref<10000x64xi32, #tpu.memory_space<hbm>>
    tpu.wait_indirect_dma semaphore(%arg17 : memref<!tpu.dma_semaphore, #tpu.memory_space<semaphore_mem>>) src(%dma_wait3A_97 : memref<10000x64xi32, #tpu.memory_space<hbm>>) dst(%arg9 : memref<128x64xi32, #tpu.memory_space<vmem>>)
    %dma_wait3A_98 = arith.constant 0 : i32
    %dma_wait3A_99 = arith.constant 0 : i32
    %dma_wait3A_100 = tpu.memref_slice %arg2[%dma_wait3A_98, %dma_wait3A_99] : memref<320000x128xf32, #tpu.memory_space<hbm>> -> memref<128x128xf32, #tpu.memory_space<hbm>>
    %dma_wait3A_101 = arith.constant 0 : i32
    %dma_wait3A_102 = arith.constant 0 : i32
    %dma_wait3A_103 = tpu.memref_slice %arg2[%dma_wait3A_101, %dma_wait3A_102] : memref<320000x128xf32, #tpu.memory_space<hbm>> -> memref<128x128xf32, #tpu.memory_space<hbm>>
    tpu.wait_dma2 semaphore(%arg17 : memref<!tpu.dma_semaphore, #tpu.memory_space<semaphore_mem>>) src(%dma_wait3A_103 : memref<128x128xf32, #tpu.memory_space<hbm>>) dst(%arg10 : memref<128x128xf32, #tpu.memory_space<vmem>>)
    %scan3A_104 = arith.constant 0 : i32
    %scan3A_105 = arith.constant 0 : i32
    %scan3A_106 = arith.constant 128 : i32
    %scan3A_107 = arith.addi %scan3A_105, %scan3A_106 : i32
    %scan3A_108 = arith.constant 1 : i32
    %scan3A_109 = scf.for %scan3A_162 = %scan3A_105 to %scan3A_107 step %scan3A_108 iter_args(%scan3A_163 = %scan3A_104) -> (i32)  : i32 {
      %get3A = arith.index_cast %scan3A_162 : i32 to index
      %get3A_164 = arith.constant 0 : index
      %get3A_165 = tpu.vector_load %arg9[%get3A, %get3A_164] {strides = array<i32>} : memref<128x64xi32, #tpu.memory_space<vmem>>, vector<1x16xi32>,
      %get3A_166 = vector.shape_cast %get3A_165 : vector<1x16xi32> to vector<16xi32>
      %shift_left3A = arith.constant 16 : i32
      %shift_left3A_167 = vector.broadcast %shift_left3A : i32 to vector<16xi32>
      %shift_left3A_168 = arith.shli %get3A_166, %shift_left3A_167 : vector<16xi32>
      %bitcast_convert_type3A = tpu.bitcast %shift_left3A_168 : vector<16xi32> -> vector<16xf32>
      %and3A = arith.constant -65536 : i32
      %and3A_169 = vector.broadcast %and3A : i32 to vector<16xi32>
      %and3A_170 = arith.andi %get3A_166, %and3A_169 : vector<16xi32>
      %bitcast_convert_type3A_171 = tpu.bitcast %and3A_170 : vector<16xi32> -> vector<16xf32>
      %get3A_172 = arith.index_cast %scan3A_162 : i32 to index
      %get3A_173 = arith.constant 0 : index
      %get3A_174 = tpu.vector_load %arg10[%get3A_172, %get3A_173] {strides = array<i32>} : memref<128x128xf32, #tpu.memory_space<vmem>>, vector<1x16xf32>,
      %get3A_175 = vector.shape_cast %get3A_174 : vector<1x16xf32> to vector<16xf32>
      %mul3A_176 = arith.mulf %get3A_175, %bitcast_convert_type3A : vector<16xf32>
      %swap3A = arith.index_cast %scan3A_162 : i32 to index
      %swap3A_177 = arith.constant 0 : index
      %swap3A_178 = tpu.vector_load %arg10[%swap3A, %swap3A_177] {strides = array<i32>} : memref<128x128xf32, #tpu.memory_space<vmem>>, vector<1x16xf32>,
      %swap3A_179 = vector.shape_cast %swap3A_178 : vector<1x16xf32> to vector<16xf32>
      %swap3A_180 = vector.shape_cast %mul3A_176 : vector<16xf32> to vector<1x16xf32>
      tpu.vector_store %arg10[%swap3A, %swap3A_177], %swap3A_180 {strides = array<i32>} : memref<128x128xf32, #tpu.memory_space<vmem>>, vector<1x16xf32>,
      %get3A_181 = arith.index_cast %scan3A_162 : i32 to index
      %get3A_182 = arith.constant 16 : index
      %get3A_183 = tpu.vector_load %arg10[%get3A_181, %get3A_182] {strides = array<i32>} : memref<128x128xf32, #tpu.memory_space<vmem>>, vector<1x16xf32>,
      %get3A_184 = vector.shape_cast %get3A_183 : vector<1x16xf32> to vector<16xf32>
      %mul3A_185 = arith.mulf %get3A_184, %bitcast_convert_type3A_171 : vector<16xf32>
      %swap3A_186 = arith.index_cast %scan3A_162 : i32 to index
      %swap3A_187 = arith.constant 16 : index
      %swap3A_188 = tpu.vector_load %arg10[%swap3A_186, %swap3A_187] {strides = array<i32>} : memref<128x128xf32, #tpu.memory_space<vmem>>, vector<1x16xf32>,
      %swap3A_189 = vector.shape_cast %swap3A_188 : vector<1x16xf32> to vector<16xf32>
      %swap3A_190 = vector.shape_cast %mul3A_185 : vector<16xf32> to vector<1x16xf32>
      tpu.vector_store %arg10[%swap3A_186, %swap3A_187], %swap3A_190 {strides = array<i32>} : memref<128x128xf32, #tpu.memory_space<vmem>>, vector<1x16xf32>,
      %get3A_191 = arith.index_cast %scan3A_162 : i32 to index
      %get3A_192 = arith.constant 16 : index
      %get3A_193 = tpu.vector_load %arg9[%get3A_191, %get3A_192] {strides = array<i32>} : memref<128x64xi32, #tpu.memory_space<vmem>>, vector<1x16xi32>,
      %get3A_194 = vector.shape_cast %get3A_193 : vector<1x16xi32> to vector<16xi32>
      %shift_left3A_195 = arith.constant 16 : i32
      %shift_left3A_196 = vector.broadcast %shift_left3A_195 : i32 to vector<16xi32>
      %shift_left3A_197 = arith.shli %get3A_194, %shift_left3A_196 : vector<16xi32>
      %bitcast_convert_type3A_198 = tpu.bitcast %shift_left3A_197 : vector<16xi32> -> vector<16xf32>
      %and3A_199 = arith.constant -65536 : i32
      %and3A_200 = vector.broadcast %and3A_199 : i32 to vector<16xi32>
      %and3A_201 = arith.andi %get3A_194, %and3A_200 : vector<16xi32>
      %bitcast_convert_type3A_202 = tpu.bitcast %and3A_201 : vector<16xi32> -> vector<16xf32>
      %get3A_203 = arith.index_cast %scan3A_162 : i32 to index
      %get3A_204 = arith.constant 32 : index
      %get3A_205 = tpu.vector_load %arg10[%get3A_203, %get3A_204] {strides = array<i32>} : memref<128x128xf32, #tpu.memory_space<vmem>>, vector<1x16xf32>,
      %get3A_206 = vector.shape_cast %get3A_205 : vector<1x16xf32> to vector<16xf32>
      %mul3A_207 = arith.mulf %get3A_206, %bitcast_convert_type3A_198 : vector<16xf32>
      %swap3A_208 = arith.index_cast %scan3A_162 : i32 to index
      %swap3A_209 = arith.constant 32 : index
      %swap3A_210 = tpu.vector_load %arg10[%swap3A_208, %swap3A_209] {strides = array<i32>} : memref<128x128xf32, #tpu.memory_space<vmem>>, vector<1x16xf32>,
      %swap3A_211 = vector.shape_cast %swap3A_210 : vector<1x16xf32> to vector<16xf32>
      %swap3A_212 = vector.shape_cast %mul3A_207 : vector<16xf32> to vector<1x16xf32>
      tpu.vector_store %arg10[%swap3A_208, %swap3A_209], %swap3A_212 {strides = array<i32>} : memref<128x128xf32, #tpu.memory_space<vmem>>, vector<1x16xf32>,
      %get3A_213 = arith.index_cast %scan3A_162 : i32 to index
      %get3A_214 = arith.constant 48 : index
      %get3A_215 = tpu.vector_load %arg10[%get3A_213, %get3A_214] {strides = array<i32>} : memref<128x128xf32, #tpu.memory_space<vmem>>, vector<1x16xf32>,
      %get3A_216 = vector.shape_cast %get3A_215 : vector<1x16xf32> to vector<16xf32>
      %mul3A_217 = arith.mulf %get3A_216, %bitcast_convert_type3A_202 : vector<16xf32>
      %swap3A_218 = arith.index_cast %scan3A_162 : i32 to index
      %swap3A_219 = arith.constant 48 : index
      %swap3A_220 = tpu.vector_load %arg10[%swap3A_218, %swap3A_219] {strides = array<i32>} : memref<128x128xf32, #tpu.memory_space<vmem>>, vector<1x16xf32>,
      %swap3A_221 = vector.shape_cast %swap3A_220 : vector<1x16xf32> to vector<16xf32>
      %swap3A_222 = vector.shape_cast %mul3A_217 : vector<16xf32> to vector<1x16xf32>
      tpu.vector_store %arg10[%swap3A_218, %swap3A_219], %swap3A_222 {strides = array<i32>} : memref<128x128xf32, #tpu.memory_space<vmem>>, vector<1x16xf32>,
      %get3A_223 = arith.index_cast %scan3A_162 : i32 to index
      %get3A_224 = arith.constant 32 : index
      %get3A_225 = tpu.vector_load %arg9[%get3A_223, %get3A_224] {strides = array<i32>} : memref<128x64xi32, #tpu.memory_space<vmem>>, vector<1x16xi32>,
      %get3A_226 = vector.shape_cast %get3A_225 : vector<1x16xi32> to vector<16xi32>
      %shift_left3A_227 = arith.constant 16 : i32
      %shift_left3A_228 = vector.broadcast %shift_left3A_227 : i32 to vector<16xi32>
      %shift_left3A_229 = arith.shli %get3A_226, %shift_left3A_228 : vector<16xi32>
      %bitcast_convert_type3A_230 = tpu.bitcast %shift_left3A_229 : vector<16xi32> -> vector<16xf32>
      %and3A_231 = arith.constant -65536 : i32
      %and3A_232 = vector.broadcast %and3A_231 : i32 to vector<16xi32>
      %and3A_233 = arith.andi %get3A_226, %and3A_232 : vector<16xi32>
      %bitcast_convert_type3A_234 = tpu.bitcast %and3A_233 : vector<16xi32> -> vector<16xf32>
      %get3A_235 = arith.index_cast %scan3A_162 : i32 to index
      %get3A_236 = arith.constant 64 : index
      %get3A_237 = tpu.vector_load %arg10[%get3A_235, %get3A_236] {strides = array<i32>} : memref<128x128xf32, #tpu.memory_space<vmem>>, vector<1x16xf32>,
      %get3A_238 = vector.shape_cast %get3A_237 : vector<1x16xf32> to vector<16xf32>
      %mul3A_239 = arith.mulf %get3A_238, %bitcast_convert_type3A_230 : vector<16xf32>
      %swap3A_240 = arith.index_cast %scan3A_162 : i32 to index
      %swap3A_241 = arith.constant 64 : index
      %swap3A_242 = tpu.vector_load %arg10[%swap3A_240, %swap3A_241] {strides = array<i32>} : memref<128x128xf32, #tpu.memory_space<vmem>>, vector<1x16xf32>,
      %swap3A_243 = vector.shape_cast %swap3A_242 : vector<1x16xf32> to vector<16xf32>
      %swap3A_244 = vector.shape_cast %mul3A_239 : vector<16xf32> to vector<1x16xf32>
      tpu.vector_store %arg10[%swap3A_240, %swap3A_241], %swap3A_244 {strides = array<i32>} : memref<128x128xf32, #tpu.memory_space<vmem>>, vector<1x16xf32>,
      %get3A_245 = arith.index_cast %scan3A_162 : i32 to index
      %get3A_246 = arith.constant 80 : index
      %get3A_247 = tpu.vector_load %arg10[%get3A_245, %get3A_246] {strides = array<i32>} : memref<128x128xf32, #tpu.memory_space<vmem>>, vector<1x16xf32>,
      %get3A_248 = vector.shape_cast %get3A_247 : vector<1x16xf32> to vector<16xf32>
      %mul3A_249 = arith.mulf %get3A_248, %bitcast_convert_type3A_234 : vector<16xf32>
      %swap3A_250 = arith.index_cast %scan3A_162 : i32 to index
      %swap3A_251 = arith.constant 80 : index
      %swap3A_252 = tpu.vector_load %arg10[%swap3A_250, %swap3A_251] {strides = array<i32>} : memref<128x128xf32, #tpu.memory_space<vmem>>, vector<1x16xf32>,
      %swap3A_253 = vector.shape_cast %swap3A_252 : vector<1x16xf32> to vector<16xf32>
      %swap3A_254 = vector.shape_cast %mul3A_249 : vector<16xf32> to vector<1x16xf32>
      tpu.vector_store %arg10[%swap3A_250, %swap3A_251], %swap3A_254 {strides = array<i32>} : memref<128x128xf32, #tpu.memory_space<vmem>>, vector<1x16xf32>,
      %get3A_255 = arith.index_cast %scan3A_162 : i32 to index
      %get3A_256 = arith.constant 48 : index
      %get3A_257 = tpu.vector_load %arg9[%get3A_255, %get3A_256] {strides = array<i32>} : memref<128x64xi32, #tpu.memory_space<vmem>>, vector<1x16xi32>,
      %get3A_258 = vector.shape_cast %get3A_257 : vector<1x16xi32> to vector<16xi32>
      %shift_left3A_259 = arith.constant 16 : i32
      %shift_left3A_260 = vector.broadcast %shift_left3A_259 : i32 to vector<16xi32>
      %shift_left3A_261 = arith.shli %get3A_258, %shift_left3A_260 : vector<16xi32>
      %bitcast_convert_type3A_262 = tpu.bitcast %shift_left3A_261 : vector<16xi32> -> vector<16xf32>
      %and3A_263 = arith.constant -65536 : i32
      %and3A_264 = vector.broadcast %and3A_263 : i32 to vector<16xi32>
      %and3A_265 = arith.andi %get3A_258, %and3A_264 : vector<16xi32>
      %bitcast_convert_type3A_266 = tpu.bitcast %and3A_265 : vector<16xi32> -> vector<16xf32>
      %get3A_267 = arith.index_cast %scan3A_162 : i32 to index
      %get3A_268 = arith.constant 96 : index
      %get3A_269 = tpu.vector_load %arg10[%get3A_267, %get3A_268] {strides = array<i32>} : memref<128x128xf32, #tpu.memory_space<vmem>>, vector<1x16xf32>,
      %get3A_270 = vector.shape_cast %get3A_269 : vector<1x16xf32> to vector<16xf32>
      %mul3A_271 = arith.mulf %get3A_270, %bitcast_convert_type3A_262 : vector<16xf32>
      %swap3A_272 = arith.index_cast %scan3A_162 : i32 to index
      %swap3A_273 = arith.constant 96 : index
      %swap3A_274 = tpu.vector_load %arg10[%swap3A_272, %swap3A_273] {strides = array<i32>} : memref<128x128xf32, #tpu.memory_space<vmem>>, vector<1x16xf32>,
      %swap3A_275 = vector.shape_cast %swap3A_274 : vector<1x16xf32> to vector<16xf32>
      %swap3A_276 = vector.shape_cast %mul3A_271 : vector<16xf32> to vector<1x16xf32>
      tpu.vector_store %arg10[%swap3A_272, %swap3A_273], %swap3A_276 {strides = array<i32>} : memref<128x128xf32, #tpu.memory_space<vmem>>, vector<1x16xf32>,
      %get3A_277 = arith.index_cast %scan3A_162 : i32 to index
      %get3A_278 = arith.constant 112 : index
      %get3A_279 = tpu.vector_load %arg10[%get3A_277, %get3A_278] {strides = array<i32>} : memref<128x128xf32, #tpu.memory_space<vmem>>, vector<1x16xf32>,
      %get3A_280 = vector.shape_cast %get3A_279 : vector<1x16xf32> to vector<16xf32>
      %mul3A_281 = arith.mulf %get3A_280, %bitcast_convert_type3A_266 : vector<16xf32>
      %swap3A_282 = arith.index_cast %scan3A_162 : i32 to index
      %swap3A_283 = arith.constant 112 : index
      %swap3A_284 = tpu.vector_load %arg10[%swap3A_282, %swap3A_283] {strides = array<i32>} : memref<128x128xf32, #tpu.memory_space<vmem>>, vector<1x16xf32>,
      %swap3A_285 = vector.shape_cast %swap3A_284 : vector<1x16xf32> to vector<16xf32>
      %swap3A_286 = vector.shape_cast %mul3A_281 : vector<16xf32> to vector<1x16xf32>
      tpu.vector_store %arg10[%swap3A_282, %swap3A_283], %swap3A_286 {strides = array<i32>} : memref<128x128xf32, #tpu.memory_space<vmem>>, vector<1x16xf32>,
      %scan3A_287 = arith.constant 0 : i32
      scf.yield %scan3A_287 : i32
    }
    %scan3A_110 = arith.constant 128 : i32
    %dma_start3A_111 = arith.constant 0 : i32
    %dma_start3A_112 = arith.constant 0 : i32
    %dma_start3A_113 = tpu.memref_slice %arg15[%dma_start3A_111, %dma_start3A_112] : memref<10112x128xf32, #tpu.memory_space<vmem_shared>> -> memref<10112x128xf32, #tpu.memory_space<vmem_shared>>
    tpu.enqueue_indirect_dma source(%arg10 : memref<128x128xf32, #tpu.memory_space<vmem>>) target(%dma_start3A_113 : memref<10112x128xf32, #tpu.memory_space<vmem_shared>>) offsets(%arg8 : memref<128xi32, #tpu.memory_space<vmem>>) semaphore(%arg18 : memref<!tpu.dma_semaphore, #tpu.memory_space<semaphore_mem>>) {add = true}
    %dma_wait3A_114 = arith.constant 0 : i32
    %dma_wait3A_115 = arith.constant 0 : i32
    %dma_wait3A_116 = tpu.memref_slice %arg3[%dma_wait3A_114, %dma_wait3A_115] : memref<10000x64xi32, #tpu.memory_space<hbm>> -> memref<10000x64xi32, #tpu.memory_space<hbm>>
    tpu.wait_indirect_dma semaphore(%arg20 : memref<!tpu.dma_semaphore, #tpu.memory_space<semaphore_mem>>) src(%dma_wait3A_116 : memref<10000x64xi32, #tpu.memory_space<hbm>>) dst(%arg13 : memref<128x64xi32, #tpu.memory_space<vmem>>)
    %dma_wait3A_117 = arith.constant 0 : i32
    %dma_wait3A_118 = arith.constant 0 : i32
    %dma_wait3A_119 = tpu.memref_slice %arg2[%dma_wait3A_117, %dma_wait3A_118] : memref<320000x128xf32, #tpu.memory_space<hbm>> -> memref<128x128xf32, #tpu.memory_space<hbm>>
    %dma_wait3A_120 = arith.constant 0 : i32
    %dma_wait3A_121 = arith.constant 0 : i32
    %dma_wait3A_122 = tpu.memref_slice %arg2[%dma_wait3A_120, %dma_wait3A_121] : memref<320000x128xf32, #tpu.memory_space<hbm>> -> memref<128x128xf32, #tpu.memory_space<hbm>>
    tpu.wait_dma2 semaphore(%arg20 : memref<!tpu.dma_semaphore, #tpu.memory_space<semaphore_mem>>) src(%dma_wait3A_122 : memref<128x128xf32, #tpu.memory_space<hbm>>) dst(%arg14 : memref<128x128xf32, #tpu.memory_space<vmem>>)
    %scan3A_123 = arith.constant 0 : i32
    %scan3A_124 = arith.constant 0 : i32
    %scan3A_125 = arith.constant 128 : i32
    %scan3A_126 = arith.addi %scan3A_124, %scan3A_125 : i32
    %scan3A_127 = arith.constant 1 : i32
    %scan3A_128 = scf.for %scan3A_162 = %scan3A_124 to %scan3A_126 step %scan3A_127 iter_args(%scan3A_163 = %scan3A_123) -> (i32)  : i32 {
      %get3A = arith.index_cast %scan3A_162 : i32 to index
      %get3A_164 = arith.constant 0 : index
      %get3A_165 = tpu.vector_load %arg13[%get3A, %get3A_164] {strides = array<i32>} : memref<128x64xi32, #tpu.memory_space<vmem>>, vector<1x16xi32>,
      %get3A_166 = vector.shape_cast %get3A_165 : vector<1x16xi32> to vector<16xi32>
      %shift_left3A = arith.constant 16 : i32
      %shift_left3A_167 = vector.broadcast %shift_left3A : i32 to vector<16xi32>
      %shift_left3A_168 = arith.shli %get3A_166, %shift_left3A_167 : vector<16xi32>
      %bitcast_convert_type3A = tpu.bitcast %shift_left3A_168 : vector<16xi32> -> vector<16xf32>
      %and3A = arith.constant -65536 : i32
      %and3A_169 = vector.broadcast %and3A : i32 to vector<16xi32>
      %and3A_170 = arith.andi %get3A_166, %and3A_169 : vector<16xi32>
      %bitcast_convert_type3A_171 = tpu.bitcast %and3A_170 : vector<16xi32> -> vector<16xf32>
      %get3A_172 = arith.index_cast %scan3A_162 : i32 to index
      %get3A_173 = arith.constant 0 : index
      %get3A_174 = tpu.vector_load %arg14[%get3A_172, %get3A_173] {strides = array<i32>} : memref<128x128xf32, #tpu.memory_space<vmem>>, vector<1x16xf32>,
      %get3A_175 = vector.shape_cast %get3A_174 : vector<1x16xf32> to vector<16xf32>
      %mul3A_176 = arith.mulf %get3A_175, %bitcast_convert_type3A : vector<16xf32>
      %swap3A = arith.index_cast %scan3A_162 : i32 to index
      %swap3A_177 = arith.constant 0 : index
      %swap3A_178 = tpu.vector_load %arg14[%swap3A, %swap3A_177] {strides = array<i32>} : memref<128x128xf32, #tpu.memory_space<vmem>>, vector<1x16xf32>,
      %swap3A_179 = vector.shape_cast %swap3A_178 : vector<1x16xf32> to vector<16xf32>
      %swap3A_180 = vector.shape_cast %mul3A_176 : vector<16xf32> to vector<1x16xf32>
      tpu.vector_store %arg14[%swap3A, %swap3A_177], %swap3A_180 {strides = array<i32>} : memref<128x128xf32, #tpu.memory_space<vmem>>, vector<1x16xf32>,
      %get3A_181 = arith.index_cast %scan3A_162 : i32 to index
      %get3A_182 = arith.constant 16 : index
      %get3A_183 = tpu.vector_load %arg14[%get3A_181, %get3A_182] {strides = array<i32>} : memref<128x128xf32, #tpu.memory_space<vmem>>, vector<1x16xf32>,
      %get3A_184 = vector.shape_cast %get3A_183 : vector<1x16xf32> to vector<16xf32>
      %mul3A_185 = arith.mulf %get3A_184, %bitcast_convert_type3A_171 : vector<16xf32>
      %swap3A_186 = arith.index_cast %scan3A_162 : i32 to index
      %swap3A_187 = arith.constant 16 : index
      %swap3A_188 = tpu.vector_load %arg14[%swap3A_186, %swap3A_187] {strides = array<i32>} : memref<128x128xf32, #tpu.memory_space<vmem>>, vector<1x16xf32>,
      %swap3A_189 = vector.shape_cast %swap3A_188 : vector<1x16xf32> to vector<16xf32>
      %swap3A_190 = vector.shape_cast %mul3A_185 : vector<16xf32> to vector<1x16xf32>
      tpu.vector_store %arg14[%swap3A_186, %swap3A_187], %swap3A_190 {strides = array<i32>} : memref<128x128xf32, #tpu.memory_space<vmem>>, vector<1x16xf32>,
      %get3A_191 = arith.index_cast %scan3A_162 : i32 to index
      %get3A_192 = arith.constant 16 : index
      %get3A_193 = tpu.vector_load %arg13[%get3A_191, %get3A_192] {strides = array<i32>} : memref<128x64xi32, #tpu.memory_space<vmem>>, vector<1x16xi32>,
      %get3A_194 = vector.shape_cast %get3A_193 : vector<1x16xi32> to vector<16xi32>
      %shift_left3A_195 = arith.constant 16 : i32
      %shift_left3A_196 = vector.broadcast %shift_left3A_195 : i32 to vector<16xi32>
      %shift_left3A_197 = arith.shli %get3A_194, %shift_left3A_196 : vector<16xi32>
      %bitcast_convert_type3A_198 = tpu.bitcast %shift_left3A_197 : vector<16xi32> -> vector<16xf32>
      %and3A_199 = arith.constant -65536 : i32
      %and3A_200 = vector.broadcast %and3A_199 : i32 to vector<16xi32>
      %and3A_201 = arith.andi %get3A_194, %and3A_200 : vector<16xi32>
      %bitcast_convert_type3A_202 = tpu.bitcast %and3A_201 : vector<16xi32> -> vector<16xf32>
      %get3A_203 = arith.index_cast %scan3A_162 : i32 to index
      %get3A_204 = arith.constant 32 : index
      %get3A_205 = tpu.vector_load %arg14[%get3A_203, %get3A_204] {strides = array<i32>} : memref<128x128xf32, #tpu.memory_space<vmem>>, vector<1x16xf32>,
      %get3A_206 = vector.shape_cast %get3A_205 : vector<1x16xf32> to vector<16xf32>
      %mul3A_207 = arith.mulf %get3A_206, %bitcast_convert_type3A_198 : vector<16xf32>
      %swap3A_208 = arith.index_cast %scan3A_162 : i32 to index
      %swap3A_209 = arith.constant 32 : index
      %swap3A_210 = tpu.vector_load %arg14[%swap3A_208, %swap3A_209] {strides = array<i32>} : memref<128x128xf32, #tpu.memory_space<vmem>>, vector<1x16xf32>,
      %swap3A_211 = vector.shape_cast %swap3A_210 : vector<1x16xf32> to vector<16xf32>
      %swap3A_212 = vector.shape_cast %mul3A_207 : vector<16xf32> to vector<1x16xf32>
      tpu.vector_store %arg14[%swap3A_208, %swap3A_209], %swap3A_212 {strides = array<i32>} : memref<128x128xf32, #tpu.memory_space<vmem>>, vector<1x16xf32>,
      %get3A_213 = arith.index_cast %scan3A_162 : i32 to index
      %get3A_214 = arith.constant 48 : index
      %get3A_215 = tpu.vector_load %arg14[%get3A_213, %get3A_214] {strides = array<i32>} : memref<128x128xf32, #tpu.memory_space<vmem>>, vector<1x16xf32>,
      %get3A_216 = vector.shape_cast %get3A_215 : vector<1x16xf32> to vector<16xf32>
      %mul3A_217 = arith.mulf %get3A_216, %bitcast_convert_type3A_202 : vector<16xf32>
      %swap3A_218 = arith.index_cast %scan3A_162 : i32 to index
      %swap3A_219 = arith.constant 48 : index
      %swap3A_220 = tpu.vector_load %arg14[%swap3A_218, %swap3A_219] {strides = array<i32>} : memref<128x128xf32, #tpu.memory_space<vmem>>, vector<1x16xf32>,
      %swap3A_221 = vector.shape_cast %swap3A_220 : vector<1x16xf32> to vector<16xf32>
      %swap3A_222 = vector.shape_cast %mul3A_217 : vector<16xf32> to vector<1x16xf32>
      tpu.vector_store %arg14[%swap3A_218, %swap3A_219], %swap3A_222 {strides = array<i32>} : memref<128x128xf32, #tpu.memory_space<vmem>>, vector<1x16xf32>,
      %get3A_223 = arith.index_cast %scan3A_162 : i32 to index
      %get3A_224 = arith.constant 32 : index
      %get3A_225 = tpu.vector_load %arg13[%get3A_223, %get3A_224] {strides = array<i32>} : memref<128x64xi32, #tpu.memory_space<vmem>>, vector<1x16xi32>,
      %get3A_226 = vector.shape_cast %get3A_225 : vector<1x16xi32> to vector<16xi32>
      %shift_left3A_227 = arith.constant 16 : i32
      %shift_left3A_228 = vector.broadcast %shift_left3A_227 : i32 to vector<16xi32>
      %shift_left3A_229 = arith.shli %get3A_226, %shift_left3A_228 : vector<16xi32>
      %bitcast_convert_type3A_230 = tpu.bitcast %shift_left3A_229 : vector<16xi32> -> vector<16xf32>
      %and3A_231 = arith.constant -65536 : i32
      %and3A_232 = vector.broadcast %and3A_231 : i32 to vector<16xi32>
      %and3A_233 = arith.andi %get3A_226, %and3A_232 : vector<16xi32>
      %bitcast_convert_type3A_234 = tpu.bitcast %and3A_233 : vector<16xi32> -> vector<16xf32>
      %get3A_235 = arith.index_cast %scan3A_162 : i32 to index
      %get3A_236 = arith.constant 64 : index
      %get3A_237 = tpu.vector_load %arg14[%get3A_235, %get3A_236] {strides = array<i32>} : memref<128x128xf32, #tpu.memory_space<vmem>>, vector<1x16xf32>,
      %get3A_238 = vector.shape_cast %get3A_237 : vector<1x16xf32> to vector<16xf32>
      %mul3A_239 = arith.mulf %get3A_238, %bitcast_convert_type3A_230 : vector<16xf32>
      %swap3A_240 = arith.index_cast %scan3A_162 : i32 to index
      %swap3A_241 = arith.constant 64 : index
      %swap3A_242 = tpu.vector_load %arg14[%swap3A_240, %swap3A_241] {strides = array<i32>} : memref<128x128xf32, #tpu.memory_space<vmem>>, vector<1x16xf32>,
      %swap3A_243 = vector.shape_cast %swap3A_242 : vector<1x16xf32> to vector<16xf32>
      %swap3A_244 = vector.shape_cast %mul3A_239 : vector<16xf32> to vector<1x16xf32>
      tpu.vector_store %arg14[%swap3A_240, %swap3A_241], %swap3A_244 {strides = array<i32>} : memref<128x128xf32, #tpu.memory_space<vmem>>, vector<1x16xf32>,
      %get3A_245 = arith.index_cast %scan3A_162 : i32 to index
      %get3A_246 = arith.constant 80 : index
      %get3A_247 = tpu.vector_load %arg14[%get3A_245, %get3A_246] {strides = array<i32>} : memref<128x128xf32, #tpu.memory_space<vmem>>, vector<1x16xf32>,
      %get3A_248 = vector.shape_cast %get3A_247 : vector<1x16xf32> to vector<16xf32>
      %mul3A_249 = arith.mulf %get3A_248, %bitcast_convert_type3A_234 : vector<16xf32>
      %swap3A_250 = arith.index_cast %scan3A_162 : i32 to index
      %swap3A_251 = arith.constant 80 : index
      %swap3A_252 = tpu.vector_load %arg14[%swap3A_250, %swap3A_251] {strides = array<i32>} : memref<128x128xf32, #tpu.memory_space<vmem>>, vector<1x16xf32>,
      %swap3A_253 = vector.shape_cast %swap3A_252 : vector<1x16xf32> to vector<16xf32>
      %swap3A_254 = vector.shape_cast %mul3A_249 : vector<16xf32> to vector<1x16xf32>
      tpu.vector_store %arg14[%swap3A_250, %swap3A_251], %swap3A_254 {strides = array<i32>} : memref<128x128xf32, #tpu.memory_space<vmem>>, vector<1x16xf32>,
      %get3A_255 = arith.index_cast %scan3A_162 : i32 to index
      %get3A_256 = arith.constant 48 : index
      %get3A_257 = tpu.vector_load %arg13[%get3A_255, %get3A_256] {strides = array<i32>} : memref<128x64xi32, #tpu.memory_space<vmem>>, vector<1x16xi32>,
      %get3A_258 = vector.shape_cast %get3A_257 : vector<1x16xi32> to vector<16xi32>
      %shift_left3A_259 = arith.constant 16 : i32
      %shift_left3A_260 = vector.broadcast %shift_left3A_259 : i32 to vector<16xi32>
      %shift_left3A_261 = arith.shli %get3A_258, %shift_left3A_260 : vector<16xi32>
      %bitcast_convert_type3A_262 = tpu.bitcast %shift_left3A_261 : vector<16xi32> -> vector<16xf32>
      %and3A_263 = arith.constant -65536 : i32
      %and3A_264 = vector.broadcast %and3A_263 : i32 to vector<16xi32>
      %and3A_265 = arith.andi %get3A_258, %and3A_264 : vector<16xi32>
      %bitcast_convert_type3A_266 = tpu.bitcast %and3A_265 : vector<16xi32> -> vector<16xf32>
      %get3A_267 = arith.index_cast %scan3A_162 : i32 to index
      %get3A_268 = arith.constant 96 : index
      %get3A_269 = tpu.vector_load %arg14[%get3A_267, %get3A_268] {strides = array<i32>} : memref<128x128xf32, #tpu.memory_space<vmem>>, vector<1x16xf32>,
      %get3A_270 = vector.shape_cast %get3A_269 : vector<1x16xf32> to vector<16xf32>
      %mul3A_271 = arith.mulf %get3A_270, %bitcast_convert_type3A_262 : vector<16xf32>
      %swap3A_272 = arith.index_cast %scan3A_162 : i32 to index
      %swap3A_273 = arith.constant 96 : index
      %swap3A_274 = tpu.vector_load %arg14[%swap3A_272, %swap3A_273] {strides = array<i32>} : memref<128x128xf32, #tpu.memory_space<vmem>>, vector<1x16xf32>,
      %swap3A_275 = vector.shape_cast %swap3A_274 : vector<1x16xf32> to vector<16xf32>
      %swap3A_276 = vector.shape_cast %mul3A_271 : vector<16xf32> to vector<1x16xf32>
      tpu.vector_store %arg14[%swap3A_272, %swap3A_273], %swap3A_276 {strides = array<i32>} : memref<128x128xf32, #tpu.memory_space<vmem>>, vector<1x16xf32>,
      %get3A_277 = arith.index_cast %scan3A_162 : i32 to index
      %get3A_278 = arith.constant 112 : index
      %get3A_279 = tpu.vector_load %arg14[%get3A_277, %get3A_278] {strides = array<i32>} : memref<128x128xf32, #tpu.memory_space<vmem>>, vector<1x16xf32>,
      %get3A_280 = vector.shape_cast %get3A_279 : vector<1x16xf32> to vector<16xf32>
      %mul3A_281 = arith.mulf %get3A_280, %bitcast_convert_type3A_266 : vector<16xf32>
      %swap3A_282 = arith.index_cast %scan3A_162 : i32 to index
      %swap3A_283 = arith.constant 112 : index
      %swap3A_284 = tpu.vector_load %arg14[%swap3A_282, %swap3A_283] {strides = array<i32>} : memref<128x128xf32, #tpu.memory_space<vmem>>, vector<1x16xf32>,
      %swap3A_285 = vector.shape_cast %swap3A_284 : vector<1x16xf32> to vector<16xf32>
      %swap3A_286 = vector.shape_cast %mul3A_281 : vector<16xf32> to vector<1x16xf32>
      tpu.vector_store %arg14[%swap3A_282, %swap3A_283], %swap3A_286 {strides = array<i32>} : memref<128x128xf32, #tpu.memory_space<vmem>>, vector<1x16xf32>,
      %scan3A_287 = arith.constant 0 : i32
      scf.yield %scan3A_287 : i32
    }
    %scan3A_129 = arith.constant 128 : i32
    %dma_wait3A_130 = arith.constant 0 : i32
    %dma_wait3A_131 = arith.constant 0 : i32
    %dma_wait3A_132 = tpu.memref_slice %arg15[%dma_wait3A_130, %dma_wait3A_131] : memref<10112x128xf32, #tpu.memory_space<vmem_shared>> -> memref<10112x128xf32, #tpu.memory_space<vmem_shared>>
    tpu.wait_indirect_dma semaphore(%arg18 : memref<!tpu.dma_semaphore, #tpu.memory_space<semaphore_mem>>) src(%arg10 : memref<128x128xf32, #tpu.memory_space<vmem>>) dst(%dma_wait3A_132 : memref<10112x128xf32, #tpu.memory_space<vmem_shared>>)
    %dma_start3A_133 = arith.constant 0 : i32
    %dma_start3A_134 = arith.constant 0 : i32
    %dma_start3A_135 = tpu.memref_slice %arg15[%dma_start3A_133, %dma_start3A_134] : memref<10112x128xf32, #tpu.memory_space<vmem_shared>> -> memref<10112x128xf32, #tpu.memory_space<vmem_shared>>
    tpu.enqueue_indirect_dma source(%arg14 : memref<128x128xf32, #tpu.memory_space<vmem>>) target(%dma_start3A_135 : memref<10112x128xf32, #tpu.memory_space<vmem_shared>>) offsets(%arg12 : memref<128xi32, #tpu.memory_space<vmem>>) semaphore(%arg21 : memref<!tpu.dma_semaphore, #tpu.memory_space<semaphore_mem>>) {add = true}
    %dma_wait3A_136 = arith.constant 0 : i32
    %dma_wait3A_137 = arith.constant 0 : i32
    %dma_wait3A_138 = tpu.memref_slice %arg15[%dma_wait3A_136, %dma_wait3A_137] : memref<10112x128xf32, #tpu.memory_space<vmem_shared>> -> memref<10112x128xf32, #tpu.memory_space<vmem_shared>>
    tpu.wait_indirect_dma semaphore(%arg21 : memref<!tpu.dma_semaphore, #tpu.memory_space<semaphore_mem>>) src(%arg14 : memref<128x128xf32, #tpu.memory_space<vmem>>) dst(%dma_wait3A_138 : memref<10112x128xf32, #tpu.memory_space<vmem_shared>>)
    %lt3A = arith.constant 4 : i32
    %lt3A_139 = arith.cmpi slt, %add3A, %lt3A : i32
    %convert_element_type3A = arith.extui %lt3A_139 : i1 to i32
    %cond3A = arith.constant 0 : i32
    %cond3A_140 = arith.cmpi ne, %convert_element_type3A, %cond3A : i32
    scf.if %cond3A_140 {
      %add3A_162 = arith.constant 2496 : i32
      %add3A_163 = arith.addi %add3A_162, %add3A : i32
      %mul3A_164 = arith.constant 128 : i32
      %mul3A_165 = arith.muli %add3A_163, %mul3A_164 : i32
      "tpu.region"() ({
        %run_scoped3A = tpu.sem_alloc : memref<!tpu.dma_semaphore, #tpu.memory_space<semaphore_mem>>
        %dma_start3A_179 = tpu.memref_slice %arg5[%mul3A_165] : memref<320000xi32, #tpu.memory_space<hbm>> -> memref<128xi32, #tpu.memory_space<hbm>>
        %dma_start3A_180 = tpu.memref_slice %arg5[%mul3A_165] : memref<320000xi32, #tpu.memory_space<hbm>> -> memref<128xi32, #tpu.memory_space<hbm>>
        tpu.enqueue_dma source(%dma_start3A_180 : memref<128xi32, #tpu.memory_space<hbm>>) target(%arg7 : memref<128xi32, #tpu.memory_space<vmem>>) target_semaphore(%run_scoped3A : memref<!tpu.dma_semaphore, #tpu.memory_space<semaphore_mem>>)
        %dma_wait3A_181 = tpu.memref_slice %arg5[%mul3A_165] : memref<320000xi32, #tpu.memory_space<hbm>> -> memref<128xi32, #tpu.memory_space<hbm>>
        %dma_wait3A_182 = tpu.memref_slice %arg5[%mul3A_165] : memref<320000xi32, #tpu.memory_space<hbm>> -> memref<128xi32, #tpu.memory_space<hbm>>
        tpu.wait_dma2 semaphore(%run_scoped3A : memref<!tpu.dma_semaphore, #tpu.memory_space<semaphore_mem>>) src(%dma_wait3A_182 : memref<128xi32, #tpu.memory_space<hbm>>) dst(%arg7 : memref<128xi32, #tpu.memory_space<vmem>>)
        tpu.yield
      }) : () -> ()
      "tpu.region"() ({
        %run_scoped3A = tpu.sem_alloc : memref<!tpu.dma_semaphore, #tpu.memory_space<semaphore_mem>>
        %dma_start3A_179 = tpu.memref_slice %arg4[%mul3A_165] : memref<320000xi32, #tpu.memory_space<hbm>> -> memref<128xi32, #tpu.memory_space<hbm>>
        %dma_start3A_180 = tpu.memref_slice %arg4[%mul3A_165] : memref<320000xi32, #tpu.memory_space<hbm>> -> memref<128xi32, #tpu.memory_space<hbm>>
        tpu.enqueue_dma source(%dma_start3A_180 : memref<128xi32, #tpu.memory_space<hbm>>) target(%arg8 : memref<128xi32, #tpu.memory_space<vmem>>) target_semaphore(%run_scoped3A : memref<!tpu.dma_semaphore, #tpu.memory_space<semaphore_mem>>)
        %dma_wait3A_181 = tpu.memref_slice %arg4[%mul3A_165] : memref<320000xi32, #tpu.memory_space<hbm>> -> memref<128xi32, #tpu.memory_space<hbm>>
        %dma_wait3A_182 = tpu.memref_slice %arg4[%mul3A_165] : memref<320000xi32, #tpu.memory_space<hbm>> -> memref<128xi32, #tpu.memory_space<hbm>>
        tpu.wait_dma2 semaphore(%run_scoped3A : memref<!tpu.dma_semaphore, #tpu.memory_space<semaphore_mem>>) src(%dma_wait3A_182 : memref<128xi32, #tpu.memory_space<hbm>>) dst(%arg8 : memref<128xi32, #tpu.memory_space<vmem>>)
        tpu.yield
      }) : () -> ()
      %dma_start3A_166 = arith.constant 0 : i32
      %dma_start3A_167 = arith.constant 0 : i32
      %dma_start3A_168 = tpu.memref_slice %arg3[%dma_start3A_166, %dma_start3A_167] : memref<10000x64xi32, #tpu.memory_space<hbm>> -> memref<10000x64xi32, #tpu.memory_space<hbm>>
      tpu.enqueue_indirect_dma source(%dma_start3A_168 : memref<10000x64xi32, #tpu.memory_space<hbm>>) target(%arg9 : memref<128x64xi32, #tpu.memory_space<vmem>>) offsets(%arg7 : memref<128xi32, #tpu.memory_space<vmem>>) semaphore(%arg17 : memref<!tpu.dma_semaphore, #tpu.memory_space<semaphore_mem>>)
      %dma_wait3A_169 = arith.constant 0 : i32
      %dma_wait3A_170 = arith.constant 0 : i32
      %dma_wait3A_171 = tpu.memref_slice %arg3[%dma_wait3A_169, %dma_wait3A_170] : memref<10000x64xi32, #tpu.memory_space<hbm>> -> memref<10000x64xi32, #tpu.memory_space<hbm>>
      tpu.wait_indirect_dma semaphore(%arg17 : memref<!tpu.dma_semaphore, #tpu.memory_space<semaphore_mem>>) src(%dma_wait3A_171 : memref<10000x64xi32, #tpu.memory_space<hbm>>) dst(%arg9 : memref<128x64xi32, #tpu.memory_space<vmem>>)
      "tpu.region"() ({
        %run_scoped3A = tpu.sem_alloc : memref<!tpu.dma_semaphore, #tpu.memory_space<semaphore_mem>>
        %dma_start3A_179 = arith.constant 0 : i32
        %dma_start3A_180 = tpu.memref_slice %arg2[%mul3A_165, %dma_start3A_179] : memref<320000x128xf32, #tpu.memory_space<hbm>> -> memref<128x128xf32, #tpu.memory_space<hbm>>
        %dma_start3A_181 = arith.constant 0 : i32
        %dma_start3A_182 = tpu.memref_slice %arg2[%mul3A_165, %dma_start3A_181] : memref<320000x128xf32, #tpu.memory_space<hbm>> -> memref<128x128xf32, #tpu.memory_space<hbm>>
        tpu.enqueue_dma source(%dma_start3A_182 : memref<128x128xf32, #tpu.memory_space<hbm>>) target(%arg10 : memref<128x128xf32, #tpu.memory_space<vmem>>) target_semaphore(%run_scoped3A : memref<!tpu.dma_semaphore, #tpu.memory_space<semaphore_mem>>)
        %dma_wait3A_183 = arith.constant 0 : i32
        %dma_wait3A_184 = tpu.memref_slice %arg2[%mul3A_165, %dma_wait3A_183] : memref<320000x128xf32, #tpu.memory_space<hbm>> -> memref<128x128xf32, #tpu.memory_space<hbm>>
        %dma_wait3A_185 = arith.constant 0 : i32
        %dma_wait3A_186 = tpu.memref_slice %arg2[%mul3A_165, %dma_wait3A_185] : memref<320000x128xf32, #tpu.memory_space<hbm>> -> memref<128x128xf32, #tpu.memory_space<hbm>>
        tpu.wait_dma2 semaphore(%run_scoped3A : memref<!tpu.dma_semaphore, #tpu.memory_space<semaphore_mem>>) src(%dma_wait3A_186 : memref<128x128xf32, #tpu.memory_space<hbm>>) dst(%arg10 : memref<128x128xf32, #tpu.memory_space<vmem>>)
        tpu.yield
      }) : () -> ()
      %scan3A_172 = arith.constant 0 : i32
      %scan3A_173 = arith.constant 0 : i32
      %scan3A_174 = arith.constant 128 : i32
      %scan3A_175 = arith.addi %scan3A_173, %scan3A_174 : i32
      %scan3A_176 = arith.constant 1 : i32
      %scan3A_177 = scf.for %scan3A_179 = %scan3A_173 to %scan3A_175 step %scan3A_176 iter_args(%scan3A_180 = %scan3A_172) -> (i32)  : i32 {
        %get3A = arith.index_cast %scan3A_179 : i32 to index
        %get3A_181 = arith.constant 0 : index
        %get3A_182 = tpu.vector_load %arg9[%get3A, %get3A_181] {strides = array<i32>} : memref<128x64xi32, #tpu.memory_space<vmem>>, vector<1x16xi32>,
        %get3A_183 = vector.shape_cast %get3A_182 : vector<1x16xi32> to vector<16xi32>
        %shift_left3A = arith.constant 16 : i32
        %shift_left3A_184 = vector.broadcast %shift_left3A : i32 to vector<16xi32>
        %shift_left3A_185 = arith.shli %get3A_183, %shift_left3A_184 : vector<16xi32>
        %bitcast_convert_type3A = tpu.bitcast %shift_left3A_185 : vector<16xi32> -> vector<16xf32>
        %and3A = arith.constant -65536 : i32
        %and3A_186 = vector.broadcast %and3A : i32 to vector<16xi32>
        %and3A_187 = arith.andi %get3A_183, %and3A_186 : vector<16xi32>
        %bitcast_convert_type3A_188 = tpu.bitcast %and3A_187 : vector<16xi32> -> vector<16xf32>
        %get3A_189 = arith.index_cast %scan3A_179 : i32 to index
        %get3A_190 = arith.constant 0 : index
        %get3A_191 = tpu.vector_load %arg10[%get3A_189, %get3A_190] {strides = array<i32>} : memref<128x128xf32, #tpu.memory_space<vmem>>, vector<1x16xf32>,
        %get3A_192 = vector.shape_cast %get3A_191 : vector<1x16xf32> to vector<16xf32>
        %mul3A_193 = arith.mulf %get3A_192, %bitcast_convert_type3A : vector<16xf32>
        %swap3A = arith.index_cast %scan3A_179 : i32 to index
        %swap3A_194 = arith.constant 0 : index
        %swap3A_195 = tpu.vector_load %arg10[%swap3A, %swap3A_194] {strides = array<i32>} : memref<128x128xf32, #tpu.memory_space<vmem>>, vector<1x16xf32>,
        %swap3A_196 = vector.shape_cast %swap3A_195 : vector<1x16xf32> to vector<16xf32>
        %swap3A_197 = vector.shape_cast %mul3A_193 : vector<16xf32> to vector<1x16xf32>
        tpu.vector_store %arg10[%swap3A, %swap3A_194], %swap3A_197 {strides = array<i32>} : memref<128x128xf32, #tpu.memory_space<vmem>>, vector<1x16xf32>,
        %get3A_198 = arith.index_cast %scan3A_179 : i32 to index
        %get3A_199 = arith.constant 16 : index
        %get3A_200 = tpu.vector_load %arg10[%get3A_198, %get3A_199] {strides = array<i32>} : memref<128x128xf32, #tpu.memory_space<vmem>>, vector<1x16xf32>,
        %get3A_201 = vector.shape_cast %get3A_200 : vector<1x16xf32> to vector<16xf32>
        %mul3A_202 = arith.mulf %get3A_201, %bitcast_convert_type3A_188 : vector<16xf32>
        %swap3A_203 = arith.index_cast %scan3A_179 : i32 to index
        %swap3A_204 = arith.constant 16 : index
        %swap3A_205 = tpu.vector_load %arg10[%swap3A_203, %swap3A_204] {strides = array<i32>} : memref<128x128xf32, #tpu.memory_space<vmem>>, vector<1x16xf32>,
        %swap3A_206 = vector.shape_cast %swap3A_205 : vector<1x16xf32> to vector<16xf32>
        %swap3A_207 = vector.shape_cast %mul3A_202 : vector<16xf32> to vector<1x16xf32>
        tpu.vector_store %arg10[%swap3A_203, %swap3A_204], %swap3A_207 {strides = array<i32>} : memref<128x128xf32, #tpu.memory_space<vmem>>, vector<1x16xf32>,
        %get3A_208 = arith.index_cast %scan3A_179 : i32 to index
        %get3A_209 = arith.constant 16 : index
        %get3A_210 = tpu.vector_load %arg9[%get3A_208, %get3A_209] {strides = array<i32>} : memref<128x64xi32, #tpu.memory_space<vmem>>, vector<1x16xi32>,
        %get3A_211 = vector.shape_cast %get3A_210 : vector<1x16xi32> to vector<16xi32>
        %shift_left3A_212 = arith.constant 16 : i32
        %shift_left3A_213 = vector.broadcast %shift_left3A_212 : i32 to vector<16xi32>
        %shift_left3A_214 = arith.shli %get3A_211, %shift_left3A_213 : vector<16xi32>
        %bitcast_convert_type3A_215 = tpu.bitcast %shift_left3A_214 : vector<16xi32> -> vector<16xf32>
        %and3A_216 = arith.constant -65536 : i32
        %and3A_217 = vector.broadcast %and3A_216 : i32 to vector<16xi32>
        %and3A_218 = arith.andi %get3A_211, %and3A_217 : vector<16xi32>
        %bitcast_convert_type3A_219 = tpu.bitcast %and3A_218 : vector<16xi32> -> vector<16xf32>
        %get3A_220 = arith.index_cast %scan3A_179 : i32 to index
        %get3A_221 = arith.constant 32 : index
        %get3A_222 = tpu.vector_load %arg10[%get3A_220, %get3A_221] {strides = array<i32>} : memref<128x128xf32, #tpu.memory_space<vmem>>, vector<1x16xf32>,
        %get3A_223 = vector.shape_cast %get3A_222 : vector<1x16xf32> to vector<16xf32>
        %mul3A_224 = arith.mulf %get3A_223, %bitcast_convert_type3A_215 : vector<16xf32>
        %swap3A_225 = arith.index_cast %scan3A_179 : i32 to index
        %swap3A_226 = arith.constant 32 : index
        %swap3A_227 = tpu.vector_load %arg10[%swap3A_225, %swap3A_226] {strides = array<i32>} : memref<128x128xf32, #tpu.memory_space<vmem>>, vector<1x16xf32>,
        %swap3A_228 = vector.shape_cast %swap3A_227 : vector<1x16xf32> to vector<16xf32>
        %swap3A_229 = vector.shape_cast %mul3A_224 : vector<16xf32> to vector<1x16xf32>
        tpu.vector_store %arg10[%swap3A_225, %swap3A_226], %swap3A_229 {strides = array<i32>} : memref<128x128xf32, #tpu.memory_space<vmem>>, vector<1x16xf32>,
        %get3A_230 = arith.index_cast %scan3A_179 : i32 to index
        %get3A_231 = arith.constant 48 : index
        %get3A_232 = tpu.vector_load %arg10[%get3A_230, %get3A_231] {strides = array<i32>} : memref<128x128xf32, #tpu.memory_space<vmem>>, vector<1x16xf32>,
        %get3A_233 = vector.shape_cast %get3A_232 : vector<1x16xf32> to vector<16xf32>
        %mul3A_234 = arith.mulf %get3A_233, %bitcast_convert_type3A_219 : vector<16xf32>
        %swap3A_235 = arith.index_cast %scan3A_179 : i32 to index
        %swap3A_236 = arith.constant 48 : index
        %swap3A_237 = tpu.vector_load %arg10[%swap3A_235, %swap3A_236] {strides = array<i32>} : memref<128x128xf32, #tpu.memory_space<vmem>>, vector<1x16xf32>,
        %swap3A_238 = vector.shape_cast %swap3A_237 : vector<1x16xf32> to vector<16xf32>
        %swap3A_239 = vector.shape_cast %mul3A_234 : vector<16xf32> to vector<1x16xf32>
        tpu.vector_store %arg10[%swap3A_235, %swap3A_236], %swap3A_239 {strides = array<i32>} : memref<128x128xf32, #tpu.memory_space<vmem>>, vector<1x16xf32>,
        %get3A_240 = arith.index_cast %scan3A_179 : i32 to index
        %get3A_241 = arith.constant 32 : index
        %get3A_242 = tpu.vector_load %arg9[%get3A_240, %get3A_241] {strides = array<i32>} : memref<128x64xi32, #tpu.memory_space<vmem>>, vector<1x16xi32>,
        %get3A_243 = vector.shape_cast %get3A_242 : vector<1x16xi32> to vector<16xi32>
        %shift_left3A_244 = arith.constant 16 : i32
        %shift_left3A_245 = vector.broadcast %shift_left3A_244 : i32 to vector<16xi32>
        %shift_left3A_246 = arith.shli %get3A_243, %shift_left3A_245 : vector<16xi32>
        %bitcast_convert_type3A_247 = tpu.bitcast %shift_left3A_246 : vector<16xi32> -> vector<16xf32>
        %and3A_248 = arith.constant -65536 : i32
        %and3A_249 = vector.broadcast %and3A_248 : i32 to vector<16xi32>
        %and3A_250 = arith.andi %get3A_243, %and3A_249 : vector<16xi32>
        %bitcast_convert_type3A_251 = tpu.bitcast %and3A_250 : vector<16xi32> -> vector<16xf32>
        %get3A_252 = arith.index_cast %scan3A_179 : i32 to index
        %get3A_253 = arith.constant 64 : index
        %get3A_254 = tpu.vector_load %arg10[%get3A_252, %get3A_253] {strides = array<i32>} : memref<128x128xf32, #tpu.memory_space<vmem>>, vector<1x16xf32>,
        %get3A_255 = vector.shape_cast %get3A_254 : vector<1x16xf32> to vector<16xf32>
        %mul3A_256 = arith.mulf %get3A_255, %bitcast_convert_type3A_247 : vector<16xf32>
        %swap3A_257 = arith.index_cast %scan3A_179 : i32 to index
        %swap3A_258 = arith.constant 64 : index
        %swap3A_259 = tpu.vector_load %arg10[%swap3A_257, %swap3A_258] {strides = array<i32>} : memref<128x128xf32, #tpu.memory_space<vmem>>, vector<1x16xf32>,
        %swap3A_260 = vector.shape_cast %swap3A_259 : vector<1x16xf32> to vector<16xf32>
        %swap3A_261 = vector.shape_cast %mul3A_256 : vector<16xf32> to vector<1x16xf32>
        tpu.vector_store %arg10[%swap3A_257, %swap3A_258], %swap3A_261 {strides = array<i32>} : memref<128x128xf32, #tpu.memory_space<vmem>>, vector<1x16xf32>,
        %get3A_262 = arith.index_cast %scan3A_179 : i32 to index
        %get3A_263 = arith.constant 80 : index
        %get3A_264 = tpu.vector_load %arg10[%get3A_262, %get3A_263] {strides = array<i32>} : memref<128x128xf32, #tpu.memory_space<vmem>>, vector<1x16xf32>,
        %get3A_265 = vector.shape_cast %get3A_264 : vector<1x16xf32> to vector<16xf32>
        %mul3A_266 = arith.mulf %get3A_265, %bitcast_convert_type3A_251 : vector<16xf32>
        %swap3A_267 = arith.index_cast %scan3A_179 : i32 to index
        %swap3A_268 = arith.constant 80 : index
        %swap3A_269 = tpu.vector_load %arg10[%swap3A_267, %swap3A_268] {strides = array<i32>} : memref<128x128xf32, #tpu.memory_space<vmem>>, vector<1x16xf32>,
        %swap3A_270 = vector.shape_cast %swap3A_269 : vector<1x16xf32> to vector<16xf32>
        %swap3A_271 = vector.shape_cast %mul3A_266 : vector<16xf32> to vector<1x16xf32>
        tpu.vector_store %arg10[%swap3A_267, %swap3A_268], %swap3A_271 {strides = array<i32>} : memref<128x128xf32, #tpu.memory_space<vmem>>, vector<1x16xf32>,
        %get3A_272 = arith.index_cast %scan3A_179 : i32 to index
        %get3A_273 = arith.constant 48 : index
        %get3A_274 = tpu.vector_load %arg9[%get3A_272, %get3A_273] {strides = array<i32>} : memref<128x64xi32, #tpu.memory_space<vmem>>, vector<1x16xi32>,
        %get3A_275 = vector.shape_cast %get3A_274 : vector<1x16xi32> to vector<16xi32>
        %shift_left3A_276 = arith.constant 16 : i32
        %shift_left3A_277 = vector.broadcast %shift_left3A_276 : i32 to vector<16xi32>
        %shift_left3A_278 = arith.shli %get3A_275, %shift_left3A_277 : vector<16xi32>
        %bitcast_convert_type3A_279 = tpu.bitcast %shift_left3A_278 : vector<16xi32> -> vector<16xf32>
        %and3A_280 = arith.constant -65536 : i32
        %and3A_281 = vector.broadcast %and3A_280 : i32 to vector<16xi32>
        %and3A_282 = arith.andi %get3A_275, %and3A_281 : vector<16xi32>
        %bitcast_convert_type3A_283 = tpu.bitcast %and3A_282 : vector<16xi32> -> vector<16xf32>
        %get3A_284 = arith.index_cast %scan3A_179 : i32 to index
        %get3A_285 = arith.constant 96 : index
        %get3A_286 = tpu.vector_load %arg10[%get3A_284, %get3A_285] {strides = array<i32>} : memref<128x128xf32, #tpu.memory_space<vmem>>, vector<1x16xf32>,
        %get3A_287 = vector.shape_cast %get3A_286 : vector<1x16xf32> to vector<16xf32>
        %mul3A_288 = arith.mulf %get3A_287, %bitcast_convert_type3A_279 : vector<16xf32>
        %swap3A_289 = arith.index_cast %scan3A_179 : i32 to index
        %swap3A_290 = arith.constant 96 : index
        %swap3A_291 = tpu.vector_load %arg10[%swap3A_289, %swap3A_290] {strides = array<i32>} : memref<128x128xf32, #tpu.memory_space<vmem>>, vector<1x16xf32>,
        %swap3A_292 = vector.shape_cast %swap3A_291 : vector<1x16xf32> to vector<16xf32>
        %swap3A_293 = vector.shape_cast %mul3A_288 : vector<16xf32> to vector<1x16xf32>
        tpu.vector_store %arg10[%swap3A_289, %swap3A_290], %swap3A_293 {strides = array<i32>} : memref<128x128xf32, #tpu.memory_space<vmem>>, vector<1x16xf32>,
        %get3A_294 = arith.index_cast %scan3A_179 : i32 to index
        %get3A_295 = arith.constant 112 : index
        %get3A_296 = tpu.vector_load %arg10[%get3A_294, %get3A_295] {strides = array<i32>} : memref<128x128xf32, #tpu.memory_space<vmem>>, vector<1x16xf32>,
        %get3A_297 = vector.shape_cast %get3A_296 : vector<1x16xf32> to vector<16xf32>
        %mul3A_298 = arith.mulf %get3A_297, %bitcast_convert_type3A_283 : vector<16xf32>
        %swap3A_299 = arith.index_cast %scan3A_179 : i32 to index
        %swap3A_300 = arith.constant 112 : index
        %swap3A_301 = tpu.vector_load %arg10[%swap3A_299, %swap3A_300] {strides = array<i32>} : memref<128x128xf32, #tpu.memory_space<vmem>>, vector<1x16xf32>,
        %swap3A_302 = vector.shape_cast %swap3A_301 : vector<1x16xf32> to vector<16xf32>
        %swap3A_303 = vector.shape_cast %mul3A_298 : vector<16xf32> to vector<1x16xf32>
        tpu.vector_store %arg10[%swap3A_299, %swap3A_300], %swap3A_303 {strides = array<i32>} : memref<128x128xf32, #tpu.memory_space<vmem>>, vector<1x16xf32>,
        %scan3A_304 = arith.constant 0 : i32
        scf.yield %scan3A_304 : i32
      }
      %scan3A_178 = arith.constant 128 : i32
      "tpu.region"() ({
        %run_scoped3A = tpu.sem_alloc : memref<!tpu.dma_semaphore, #tpu.memory_space<semaphore_mem>>
        %dma_start3A_179 = arith.constant 0 : i32
        %dma_start3A_180 = arith.constant 0 : i32
        %dma_start3A_181 = tpu.memref_slice %arg15[%dma_start3A_179, %dma_start3A_180] : memref<10112x128xf32, #tpu.memory_space<vmem_shared>> -> memref<10112x128xf32, #tpu.memory_space<vmem_shared>>
        tpu.enqueue_indirect_dma source(%arg10 : memref<128x128xf32, #tpu.memory_space<vmem>>) target(%dma_start3A_181 : memref<10112x128xf32, #tpu.memory_space<vmem_shared>>) offsets(%arg8 : memref<128xi32, #tpu.memory_space<vmem>>) semaphore(%run_scoped3A : memref<!tpu.dma_semaphore, #tpu.memory_space<semaphore_mem>>) {add = true}
        %dma_wait3A_182 = arith.constant 0 : i32
        %dma_wait3A_183 = arith.constant 0 : i32
        %dma_wait3A_184 = tpu.memref_slice %arg15[%dma_wait3A_182, %dma_wait3A_183] : memref<10112x128xf32, #tpu.memory_space<vmem_shared>> -> memref<10112x128xf32, #tpu.memory_space<vmem_shared>>
        tpu.wait_indirect_dma semaphore(%run_scoped3A : memref<!tpu.dma_semaphore, #tpu.memory_space<semaphore_mem>>) src(%arg10 : memref<128x128xf32, #tpu.memory_space<vmem>>) dst(%dma_wait3A_184 : memref<10112x128xf32, #tpu.memory_space<vmem_shared>>)
        tpu.yield
      }) : () -> ()
    } else {
    }
    %barrier3A_141 = arith.constant 0 : index
    tpu.barrier barrier_id(%barrier3A_141)
    %mul3A_142 = arith.constant 632 : i32
    %mul3A_143 = arith.muli %arg1, %mul3A_142 : i32
    %add3A_144 = arith.constant 0 : i32
    %add3A_145 = arith.addi %mul3A_143, %add3A_144 : i32
    "tpu.region"() ({
      %run_scoped3A = tpu.sem_alloc : memref<!tpu.dma_semaphore, #tpu.memory_space<semaphore_mem>>
      %dma_start3A_162 = arith.constant 0 : i32
      %dma_start3A_163 = tpu.memref_slice %arg6[%arg0, %add3A_145, %dma_start3A_162] : memref<2x10112x128xf32, #tpu.memory_space<hbm>> -> memref<1x128x128xf32, #tpu.memory_space<hbm>>
      %dma_start3A_164 = tpu.memref_squeeze %dma_start3A_163 : memref<1x128x128xf32, #tpu.memory_space<hbm>> -> memref<128x128xf32, #tpu.memory_space<hbm>>
      %dma_start3A_165 = arith.constant 0 : i32
      %dma_start3A_166 = tpu.memref_slice %arg15[%add3A_145, %dma_start3A_165] : memref<10112x128xf32, #tpu.memory_space<vmem_shared>> -> memref<128x128xf32, #tpu.memory_space<vmem_shared>>
      tpu.enqueue_dma source(%dma_start3A_166 : memref<128x128xf32, #tpu.memory_space<vmem_shared>>) target(%dma_start3A_164 : memref<128x128xf32, #tpu.memory_space<hbm>>) target_semaphore(%run_scoped3A : memref<!tpu.dma_semaphore, #tpu.memory_space<semaphore_mem>>)
      %dma_wait3A_167 = arith.constant 0 : i32
      %dma_wait3A_168 = tpu.memref_slice %arg6[%arg0, %add3A_145, %dma_wait3A_167] : memref<2x10112x128xf32, #tpu.memory_space<hbm>> -> memref<1x128x128xf32, #tpu.memory_space<hbm>>
      %dma_wait3A_169 = tpu.memref_squeeze %dma_wait3A_168 : memref<1x128x128xf32, #tpu.memory_space<hbm>> -> memref<128x128xf32, #tpu.memory_space<hbm>>
      %dma_wait3A_170 = arith.constant 0 : i32
      %dma_wait3A_171 = tpu.memref_slice %arg15[%add3A_145, %dma_wait3A_170] : memref<10112x128xf32, #tpu.memory_space<vmem_shared>> -> memref<128x128xf32, #tpu.memory_space<vmem_shared>>
      tpu.wait_dma2 semaphore(%run_scoped3A : memref<!tpu.dma_semaphore, #tpu.memory_space<semaphore_mem>>) src(%dma_wait3A_171 : memref<128x128xf32, #tpu.memory_space<vmem_shared>>) dst(%dma_wait3A_169 : memref<128x128xf32, #tpu.memory_space<hbm>>)
      tpu.yield
    }) : () -> ()
    %mul3A_146 = arith.constant 632 : i32
    %mul3A_147 = arith.muli %arg1, %mul3A_146 : i32
    %add3A_148 = arith.constant 128 : i32
    %add3A_149 = arith.addi %mul3A_147, %add3A_148 : i32
    "tpu.region"() ({
      %run_scoped3A = tpu.sem_alloc : memref<!tpu.dma_semaphore, #tpu.memory_space<semaphore_mem>>
      %dma_start3A_162 = arith.constant 0 : i32
      %dma_start3A_163 = tpu.memref_slice %arg6[%arg0, %add3A_149, %dma_start3A_162] : memref<2x10112x128xf32, #tpu.memory_space<hbm>> -> memref<1x128x128xf32, #tpu.memory_space<hbm>>
      %dma_start3A_164 = tpu.memref_squeeze %dma_start3A_163 : memref<1x128x128xf32, #tpu.memory_space<hbm>> -> memref<128x128xf32, #tpu.memory_space<hbm>>
      %dma_start3A_165 = arith.constant 0 : i32
      %dma_start3A_166 = tpu.memref_slice %arg15[%add3A_149, %dma_start3A_165] : memref<10112x128xf32, #tpu.memory_space<vmem_shared>> -> memref<128x128xf32, #tpu.memory_space<vmem_shared>>
      tpu.enqueue_dma source(%dma_start3A_166 : memref<128x128xf32, #tpu.memory_space<vmem_shared>>) target(%dma_start3A_164 : memref<128x128xf32, #tpu.memory_space<hbm>>) target_semaphore(%run_scoped3A : memref<!tpu.dma_semaphore, #tpu.memory_space<semaphore_mem>>)
      %dma_wait3A_167 = arith.constant 0 : i32
      %dma_wait3A_168 = tpu.memref_slice %arg6[%arg0, %add3A_149, %dma_wait3A_167] : memref<2x10112x128xf32, #tpu.memory_space<hbm>> -> memref<1x128x128xf32, #tpu.memory_space<hbm>>
      %dma_wait3A_169 = tpu.memref_squeeze %dma_wait3A_168 : memref<1x128x128xf32, #tpu.memory_space<hbm>> -> memref<128x128xf32, #tpu.memory_space<hbm>>
      %dma_wait3A_170 = arith.constant 0 : i32
      %dma_wait3A_171 = tpu.memref_slice %arg15[%add3A_149, %dma_wait3A_170] : memref<10112x128xf32, #tpu.memory_space<vmem_shared>> -> memref<128x128xf32, #tpu.memory_space<vmem_shared>>
      tpu.wait_dma2 semaphore(%run_scoped3A : memref<!tpu.dma_semaphore, #tpu.memory_space<semaphore_mem>>) src(%dma_wait3A_171 : memref<128x128xf32, #tpu.memory_space<vmem_shared>>) dst(%dma_wait3A_169 : memref<128x128xf32, #tpu.memory_space<hbm>>)
      tpu.yield
    }) : () -> ()
    %mul3A_150 = arith.constant 632 : i32
    %mul3A_151 = arith.muli %arg1, %mul3A_150 : i32
    %add3A_152 = arith.constant 256 : i32
    %add3A_153 = arith.addi %mul3A_151, %add3A_152 : i32
    "tpu.region"() ({
      %run_scoped3A = tpu.sem_alloc : memref<!tpu.dma_semaphore, #tpu.memory_space<semaphore_mem>>
      %dma_start3A_162 = arith.constant 0 : i32
      %dma_start3A_163 = tpu.memref_slice %arg6[%arg0, %add3A_153, %dma_start3A_162] : memref<2x10112x128xf32, #tpu.memory_space<hbm>> -> memref<1x128x128xf32, #tpu.memory_space<hbm>>
      %dma_start3A_164 = tpu.memref_squeeze %dma_start3A_163 : memref<1x128x128xf32, #tpu.memory_space<hbm>> -> memref<128x128xf32, #tpu.memory_space<hbm>>
      %dma_start3A_165 = arith.constant 0 : i32
      %dma_start3A_166 = tpu.memref_slice %arg15[%add3A_153, %dma_start3A_165] : memref<10112x128xf32, #tpu.memory_space<vmem_shared>> -> memref<128x128xf32, #tpu.memory_space<vmem_shared>>
      tpu.enqueue_dma source(%dma_start3A_166 : memref<128x128xf32, #tpu.memory_space<vmem_shared>>) target(%dma_start3A_164 : memref<128x128xf32, #tpu.memory_space<hbm>>) target_semaphore(%run_scoped3A : memref<!tpu.dma_semaphore, #tpu.memory_space<semaphore_mem>>)
      %dma_wait3A_167 = arith.constant 0 : i32
      %dma_wait3A_168 = tpu.memref_slice %arg6[%arg0, %add3A_153, %dma_wait3A_167] : memref<2x10112x128xf32, #tpu.memory_space<hbm>> -> memref<1x128x128xf32, #tpu.memory_space<hbm>>
      %dma_wait3A_169 = tpu.memref_squeeze %dma_wait3A_168 : memref<1x128x128xf32, #tpu.memory_space<hbm>> -> memref<128x128xf32, #tpu.memory_space<hbm>>
      %dma_wait3A_170 = arith.constant 0 : i32
      %dma_wait3A_171 = tpu.memref_slice %arg15[%add3A_153, %dma_wait3A_170] : memref<10112x128xf32, #tpu.memory_space<vmem_shared>> -> memref<128x128xf32, #tpu.memory_space<vmem_shared>>
      tpu.wait_dma2 semaphore(%run_scoped3A : memref<!tpu.dma_semaphore, #tpu.memory_space<semaphore_mem>>) src(%dma_wait3A_171 : memref<128x128xf32, #tpu.memory_space<vmem_shared>>) dst(%dma_wait3A_169 : memref<128x128xf32, #tpu.memory_space<hbm>>)
      tpu.yield
    }) : () -> ()
    %mul3A_154 = arith.constant 632 : i32
    %mul3A_155 = arith.muli %arg1, %mul3A_154 : i32
    %add3A_156 = arith.constant 384 : i32
    %add3A_157 = arith.addi %mul3A_155, %add3A_156 : i32
    "tpu.region"() ({
      %run_scoped3A = tpu.sem_alloc : memref<!tpu.dma_semaphore, #tpu.memory_space<semaphore_mem>>
      %dma_start3A_162 = arith.constant 0 : i32
      %dma_start3A_163 = tpu.memref_slice %arg6[%arg0, %add3A_157, %dma_start3A_162] : memref<2x10112x128xf32, #tpu.memory_space<hbm>> -> memref<1x128x128xf32, #tpu.memory_space<hbm>>
      %dma_start3A_164 = tpu.memref_squeeze %dma_start3A_163 : memref<1x128x128xf32, #tpu.memory_space<hbm>> -> memref<128x128xf32, #tpu.memory_space<hbm>>
      %dma_start3A_165 = arith.constant 0 : i32
      %dma_start3A_166 = tpu.memref_slice %arg15[%add3A_157, %dma_start3A_165] : memref<10112x128xf32, #tpu.memory_space<vmem_shared>> -> memref<128x128xf32, #tpu.memory_space<vmem_shared>>
      tpu.enqueue_dma source(%dma_start3A_166 : memref<128x128xf32, #tpu.memory_space<vmem_shared>>) target(%dma_start3A_164 : memref<128x128xf32, #tpu.memory_space<hbm>>) target_semaphore(%run_scoped3A : memref<!tpu.dma_semaphore, #tpu.memory_space<semaphore_mem>>)
      %dma_wait3A_167 = arith.constant 0 : i32
      %dma_wait3A_168 = tpu.memref_slice %arg6[%arg0, %add3A_157, %dma_wait3A_167] : memref<2x10112x128xf32, #tpu.memory_space<hbm>> -> memref<1x128x128xf32, #tpu.memory_space<hbm>>
      %dma_wait3A_169 = tpu.memref_squeeze %dma_wait3A_168 : memref<1x128x128xf32, #tpu.memory_space<hbm>> -> memref<128x128xf32, #tpu.memory_space<hbm>>
      %dma_wait3A_170 = arith.constant 0 : i32
      %dma_wait3A_171 = tpu.memref_slice %arg15[%add3A_157, %dma_wait3A_170] : memref<10112x128xf32, #tpu.memory_space<vmem_shared>> -> memref<128x128xf32, #tpu.memory_space<vmem_shared>>
      tpu.wait_dma2 semaphore(%run_scoped3A : memref<!tpu.dma_semaphore, #tpu.memory_space<semaphore_mem>>) src(%dma_wait3A_171 : memref<128x128xf32, #tpu.memory_space<vmem_shared>>) dst(%dma_wait3A_169 : memref<128x128xf32, #tpu.memory_space<hbm>>)
      tpu.yield
    }) : () -> ()
    %mul3A_158 = arith.constant 632 : i32
    %mul3A_159 = arith.muli %arg1, %mul3A_158 : i32
    %add3A_160 = arith.constant 512 : i32
    %add3A_161 = arith.addi %mul3A_159, %add3A_160 : i32
    "tpu.region"() ({
      %run_scoped3A = tpu.sem_alloc : memref<!tpu.dma_semaphore, #tpu.memory_space<semaphore_mem>>
      %dma_start3A_162 = arith.constant 0 : i32
      %dma_start3A_163 = tpu.memref_slice %arg6[%arg0, %add3A_161, %dma_start3A_162] : memref<2x10112x128xf32, #tpu.memory_space<hbm>> -> memref<1x120x128xf32, #tpu.memory_space<hbm>>
      %dma_start3A_164 = tpu.memref_squeeze %dma_start3A_163 : memref<1x120x128xf32, #tpu.memory_space<hbm>> -> memref<120x128xf32, #tpu.memory_space<hbm>>
      %dma_start3A_165 = arith.constant 0 : i32
      %dma_start3A_166 = tpu.memref_slice %arg15[%add3A_161, %dma_start3A_165] : memref<10112x128xf32, #tpu.memory_space<vmem_shared>> -> memref<120x128xf32, #tpu.memory_space<vmem_shared>>
      tpu.enqueue_dma source(%dma_start3A_166 : memref<120x128xf32, #tpu.memory_space<vmem_shared>>) target(%dma_start3A_164 : memref<120x128xf32, #tpu.memory_space<hbm>>) target_semaphore(%run_scoped3A : memref<!tpu.dma_semaphore, #tpu.memory_space<semaphore_mem>>)
      %dma_wait3A_167 = arith.constant 0 : i32
      %dma_wait3A_168 = tpu.memref_slice %arg6[%arg0, %add3A_161, %dma_wait3A_167] : memref<2x10112x128xf32, #tpu.memory_space<hbm>> -> memref<1x120x128xf32, #tpu.memory_space<hbm>>
      %dma_wait3A_169 = tpu.memref_squeeze %dma_wait3A_168 : memref<1x120x128xf32, #tpu.memory_space<hbm>> -> memref<120x128xf32, #tpu.memory_space<hbm>>
      %dma_wait3A_170 = arith.constant 0 : i32
      %dma_wait3A_171 = tpu.memref_slice %arg15[%add3A_161, %dma_wait3A_170] : memref<10112x128xf32, #tpu.memory_space<vmem_shared>> -> memref<120x128xf32, #tpu.memory_space<vmem_shared>>
      tpu.wait_dma2 semaphore(%run_scoped3A : memref<!tpu.dma_semaphore, #tpu.memory_space<semaphore_mem>>) src(%dma_wait3A_171 : memref<120x128xf32, #tpu.memory_space<vmem_shared>>) dst(%dma_wait3A_169 : memref<120x128xf32, #tpu.memory_space<hbm>>)
      tpu.yield
    }) : () -> ()
    return
  }
}

module attributes {stable_mosaic.version = 14 : i64} {
  func.func @_lin_body(%arg0: i32, %arg1: memref<1000x128xf32, #tpu.memory_space<vmem>>, %arg2: memref<128x128xf32, #tpu.memory_space<vmem>>, %arg3: memref<1x128xf32, #tpu.memory_space<vmem>>, %arg4: memref<1000x128xbf16, #tpu.memory_space<vmem>>) attributes {dimension_semantics = [#tpu.dimension_semantics<arbitrary>], iteration_bounds = array<i64: 10>, scalar_prefetch = 0 : i64, scratch_operands = 0 : i64, tpu.core_type = #tpu.core_type<tc>, window_params = [{transform_indices = @transform_0, window_bounds = array<i64: 1000, 128>}, {pipeline_mode = #tpu.pipeline_mode<synchronous>, transform_indices = @transform_1, window_bounds = array<i64: 128, 128>}, {pipeline_mode = #tpu.pipeline_mode<synchronous>, transform_indices = @transform_2, window_bounds = array<i64: 1, 128>}, {transform_indices = @transform_3, window_bounds = array<i64: 1000, 128>}]} {
    %get3A = arith.constant 0 : index
    %get3A_0 = arith.constant 0 : index
    %get3A_1 = vector.load %arg1[%get3A, %get3A_0] : memref<1000x128xf32, #tpu.memory_space<vmem>>, vector<1000x128xf32>
    %get3A_2 = arith.constant 0 : index
    %get3A_3 = arith.constant 0 : index
    %get3A_4 = vector.load %arg2[%get3A_2, %get3A_3] : memref<128x128xf32, #tpu.memory_space<vmem>>, vector<128x128xf32>
    %dot_general3A = arith.constant dense<0.000000e+00> : vector<1000x128xf32>
    %dot_general3A_5 = tpu.matmul %get3A_1, %get3A_4, %dot_general3A {dimension_numbers = #tpu.dot_dimension_numbers<[1], [0], [0], [1], [0, 0, 1, 1], [], []>, transpose_lhs_hint = false} : vector<1000x128xf32>, vector<128x128xf32>, vector<1000x128xf32> -> vector<1000x128xf32>
    %get3A_6 = arith.constant 0 : index
    %get3A_7 = arith.constant 0 : index
    %get3A_8 = vector.load %arg3[%get3A_6, %get3A_7] : memref<1x128xf32, #tpu.memory_space<vmem>>, vector<1x128xf32>
    %add3A = vector.broadcast %get3A_8 : vector<1x128xf32> to vector<1000x128xf32>
    %add3A_9 = arith.addf %dot_general3A_5, %add3A : vector<1000x128xf32>
    %convert_element_type3A = arith.truncf %add3A_9 : vector<1000x128xf32> to vector<1000x128xbf16>
    %swap3A = arith.constant 0 : index
    %swap3A_10 = arith.constant 0 : index
    %swap3A_11 = vector.load %arg4[%swap3A, %swap3A_10] : memref<1000x128xbf16, #tpu.memory_space<vmem>>, vector<1000x128xbf16>
    tpu.vector_store %arg4[%swap3A, %swap3A_10], %convert_element_type3A {strides = array<i32>} : memref<1000x128xbf16, #tpu.memory_space<vmem>>, vector<1000x128xbf16>,
    return
  }
  func.func @transform_0(%arg0: i32) -> (i32, i32) {
    %c0_i32 = arith.constant 0 : i32
    %c0_i32_0 = arith.constant 0 : i32
    return %arg0, %c0_i32 : i32, i32
  }
  func.func @transform_1(%arg0: i32) -> (i32, i32) {
    %c0_i32 = arith.constant 0 : i32
    %c0_i32_0 = arith.constant 0 : i32
    %c0_i32_1 = arith.constant 0 : i32
    return %c0_i32, %c0_i32_0 : i32, i32
  }
  func.func @transform_2(%arg0: i32) -> (i32, i32) {
    %c0_i32 = arith.constant 0 : i32
    %c0_i32_0 = arith.constant 0 : i32
    %c0_i32_1 = arith.constant 0 : i32
    return %c0_i32, %c0_i32_0 : i32, i32
  }
  func.func @transform_3(%arg0: i32) -> (i32, i32) {
    %c0_i32 = arith.constant 0 : i32
    %c0_i32_0 = arith.constant 0 : i32
    return %arg0, %c0_i32 : i32, i32
  }
}

module attributes {stable_mosaic.version = 14 : i64} {
  func.func @_mlp_body(%arg0: i32, %arg1: memref<4000x128xf32, #tpu.memory_space<vmem>>, %arg2: memref<128x128xf32, #tpu.memory_space<vmem>>, %arg3: memref<1x128xf32, #tpu.memory_space<vmem>>, %arg4: memref<128x128xf32, #tpu.memory_space<vmem>>, %arg5: memref<1x128xf32, #tpu.memory_space<vmem>>, %arg6: memref<4000x128xf32, #tpu.memory_space<vmem>>) attributes {dimension_semantics = [#tpu.dimension_semantics<arbitrary>], iteration_bounds = array<i64: 80>, scalar_prefetch = 0 : i64, scratch_operands = 0 : i64, tpu.core_type = #tpu.core_type<tc>, window_params = [{transform_indices = @transform_0, window_bounds = array<i64: 4000, 128>}, {pipeline_mode = #tpu.pipeline_mode<synchronous>, transform_indices = @transform_1, window_bounds = array<i64: 128, 128>}, {pipeline_mode = #tpu.pipeline_mode<synchronous>, transform_indices = @transform_2, window_bounds = array<i64: 1, 128>}, {pipeline_mode = #tpu.pipeline_mode<synchronous>, transform_indices = @transform_3, window_bounds = array<i64: 128, 128>}, {pipeline_mode = #tpu.pipeline_mode<synchronous>, transform_indices = @transform_4, window_bounds = array<i64: 1, 128>}, {transform_indices = @transform_5, window_bounds = array<i64: 4000, 128>}]} {
    %get3A = arith.constant 0 : index
    %get3A_0 = arith.constant 0 : index
    %get3A_1 = vector.load %arg1[%get3A, %get3A_0] : memref<4000x128xf32, #tpu.memory_space<vmem>>, vector<4000x128xf32>
    %get3A_2 = arith.constant 0 : index
    %get3A_3 = arith.constant 0 : index
    %get3A_4 = vector.load %arg2[%get3A_2, %get3A_3] : memref<128x128xf32, #tpu.memory_space<vmem>>, vector<128x128xf32>
    %dot_general3A = arith.constant dense<0.000000e+00> : vector<4000x128xf32>
    %dot_general3A_5 = tpu.matmul %get3A_1, %get3A_4, %dot_general3A {dimension_numbers = #tpu.dot_dimension_numbers<[1], [0], [0], [1], [0, 0, 1, 1], [], []>, transpose_lhs_hint = false} : vector<4000x128xf32>, vector<128x128xf32>, vector<4000x128xf32> -> vector<4000x128xf32>
    %get3A_6 = arith.constant 0 : index
    %get3A_7 = arith.constant 0 : index
    %get3A_8 = vector.load %arg2[%get3A_6, %get3A_7] : memref<128x128xf32, #tpu.memory_space<vmem>>, vector<128x128xf32>
    %dot_general3A_9 = arith.constant dense<0.000000e+00> : vector<4000x128xf32>
    %dot_general3A_10 = tpu.matmul %dot_general3A_5, %get3A_8, %dot_general3A_9 {dimension_numbers = #tpu.dot_dimension_numbers<[1], [0], [0], [1], [0, 0, 1, 1], [], []>, transpose_lhs_hint = false} : vector<4000x128xf32>, vector<128x128xf32>, vector<4000x128xf32> -> vector<4000x128xf32>
    %get3A_11 = arith.constant 0 : index
    %get3A_12 = arith.constant 0 : index
    %get3A_13 = vector.load %arg3[%get3A_11, %get3A_12] : memref<1x128xf32, #tpu.memory_space<vmem>>, vector<1x128xf32>
    %add3A = vector.broadcast %get3A_13 : vector<1x128xf32> to vector<4000x128xf32>
    %add3A_14 = arith.addf %dot_general3A_10, %add3A : vector<4000x128xf32>
    %logistic3A = arith.negf %add3A_14 : vector<4000x128xf32>
    %logistic3A_15 = math.exp %logistic3A : vector<4000x128xf32>
    %logistic3A_16 = arith.constant 1.000000e+00 : f32
    %logistic3A_17 = vector.broadcast %logistic3A_16 : f32 to vector<4000x128xf32>
    %logistic3A_18 = arith.addf %logistic3A_17, %logistic3A_15 : vector<4000x128xf32>
    %logistic3A_19 = arith.divf %logistic3A_17, %logistic3A_18 : vector<4000x128xf32>
    %mul3A = arith.mulf %add3A_14, %logistic3A_19 : vector<4000x128xf32>
    %get3A_20 = arith.constant 0 : index
    %get3A_21 = arith.constant 0 : index
    %get3A_22 = vector.load %arg4[%get3A_20, %get3A_21] : memref<128x128xf32, #tpu.memory_space<vmem>>, vector<128x128xf32>
    %dot_general3A_23 = arith.constant dense<0.000000e+00> : vector<4000x128xf32>
    %dot_general3A_24 = tpu.matmul %mul3A, %get3A_22, %dot_general3A_23 {dimension_numbers = #tpu.dot_dimension_numbers<[1], [0], [0], [1], [0, 0, 1, 1], [], []>, transpose_lhs_hint = false} : vector<4000x128xf32>, vector<128x128xf32>, vector<4000x128xf32> -> vector<4000x128xf32>
    %get3A_25 = arith.constant 0 : index
    %get3A_26 = arith.constant 0 : index
    %get3A_27 = vector.load %arg5[%get3A_25, %get3A_26] : memref<1x128xf32, #tpu.memory_space<vmem>>, vector<1x128xf32>
    %add3A_28 = vector.broadcast %get3A_27 : vector<1x128xf32> to vector<4000x128xf32>
    %add3A_29 = arith.addf %dot_general3A_24, %add3A_28 : vector<4000x128xf32>
    %swap3A = arith.constant 0 : index
    %swap3A_30 = arith.constant 0 : index
    %swap3A_31 = vector.load %arg6[%swap3A, %swap3A_30] : memref<4000x128xf32, #tpu.memory_space<vmem>>, vector<4000x128xf32>
    tpu.vector_store %arg6[%swap3A, %swap3A_30], %add3A_29 {strides = array<i32>} : memref<4000x128xf32, #tpu.memory_space<vmem>>, vector<4000x128xf32>,
    return
  }
  func.func @transform_0(%arg0: i32) -> (i32, i32) {
    %c0_i32 = arith.constant 0 : i32
    %c0_i32_0 = arith.constant 0 : i32
    return %arg0, %c0_i32 : i32, i32
  }
  func.func @transform_1(%arg0: i32) -> (i32, i32) {
    %c0_i32 = arith.constant 0 : i32
    %c0_i32_0 = arith.constant 0 : i32
    %c0_i32_1 = arith.constant 0 : i32
    return %c0_i32, %c0_i32_0 : i32, i32
  }
  func.func @transform_2(%arg0: i32) -> (i32, i32) {
    %c0_i32 = arith.constant 0 : i32
    %c0_i32_0 = arith.constant 0 : i32
    %c0_i32_1 = arith.constant 0 : i32
    return %c0_i32, %c0_i32_0 : i32, i32
  }
  func.func @transform_3(%arg0: i32) -> (i32, i32) {
    %c0_i32 = arith.constant 0 : i32
    %c0_i32_0 = arith.constant 0 : i32
    %c0_i32_1 = arith.constant 0 : i32
    return %c0_i32, %c0_i32_0 : i32, i32
  }
  func.func @transform_4(%arg0: i32) -> (i32, i32) {
    %c0_i32 = arith.constant 0 : i32
    %c0_i32_0 = arith.constant 0 : i32
    %c0_i32_1 = arith.constant 0 : i32
    return %c0_i32, %c0_i32_0 : i32, i32
  }
  func.func @transform_5(%arg0: i32) -> (i32, i32) {
    %c0_i32 = arith.constant 0 : i32
    %c0_i32_0 = arith.constant 0 : i32
    return %arg0, %c0_i32 : i32, i32
  }
}

module attributes {stable_mosaic.version = 14 : i64} {
  func.func @_ln_body(%arg0: i32, %arg1: memref<1000x128xf32, #tpu.memory_space<vmem>>, %arg2: memref<1000x128xf32, #tpu.memory_space<vmem>>, %arg3: memref<1000x128xf32, #tpu.memory_space<vmem>>, %arg4: memref<1x128xf32, #tpu.memory_space<vmem>>, %arg5: memref<1x128xf32, #tpu.memory_space<vmem>>, %arg6: memref<1000x128xf32, #tpu.memory_space<vmem>>) attributes {dimension_semantics = [#tpu.dimension_semantics<arbitrary>], iteration_bounds = array<i64: 10>, scalar_prefetch = 0 : i64, scratch_operands = 0 : i64, tpu.core_type = #tpu.core_type<tc>, window_params = [{transform_indices = @transform_0, window_bounds = array<i64: 1000, 128>}, {transform_indices = @transform_1, window_bounds = array<i64: 1000, 128>}, {transform_indices = @transform_2, window_bounds = array<i64: 1000, 128>}, {pipeline_mode = #tpu.pipeline_mode<synchronous>, transform_indices = @transform_3, window_bounds = array<i64: 1, 128>}, {pipeline_mode = #tpu.pipeline_mode<synchronous>, transform_indices = @transform_4, window_bounds = array<i64: 1, 128>}, {transform_indices = @transform_5, window_bounds = array<i64: 1000, 128>}]} {
    %get3A = arith.constant 0 : index
    %get3A_0 = arith.constant 0 : index
    %get3A_1 = vector.load %arg1[%get3A, %get3A_0] : memref<1000x128xf32, #tpu.memory_space<vmem>>, vector<1000x128xf32>
    %get3A_2 = arith.constant 0 : index
    %get3A_3 = arith.constant 0 : index
    %get3A_4 = vector.load %arg2[%get3A_2, %get3A_3] : memref<1000x128xf32, #tpu.memory_space<vmem>>, vector<1000x128xf32>
    %add3A = arith.addf %get3A_1, %get3A_4 : vector<1000x128xf32>
    %get3A_5 = arith.constant 0 : index
    %get3A_6 = arith.constant 0 : index
    %get3A_7 = vector.load %arg3[%get3A_5, %get3A_6] : memref<1000x128xf32, #tpu.memory_space<vmem>>, vector<1000x128xf32>
    %add3A_8 = arith.addf %add3A, %get3A_7 : vector<1000x128xf32>
    %reduce_sum3A = arith.constant dense<0.000000e+00> : vector<1000xf32>
    %reduce_sum3A_9 = vector.multi_reduction <add>, %add3A_8, %reduce_sum3A [1] : vector<1000x128xf32> to vector<1000xf32>
    %broadcast_in_dim3A = vector.shape_cast %reduce_sum3A_9 : vector<1000xf32> to vector<1000x1xf32>
    %div3A = arith.constant 1.280000e+02 : f32
    %div3A_10 = vector.broadcast %div3A : f32 to vector<1000x1xf32>
    %div3A_11 = arith.divf %broadcast_in_dim3A, %div3A_10 : vector<1000x1xf32>
    %sub3A = vector.broadcast %div3A_11 : vector<1000x1xf32> to vector<1000x128xf32>
    %sub3A_12 = arith.subf %add3A_8, %sub3A : vector<1000x128xf32>
    %square3A = arith.mulf %sub3A_12, %sub3A_12 : vector<1000x128xf32>
    %reduce_sum3A_13 = arith.constant dense<0.000000e+00> : vector<1000xf32>
    %reduce_sum3A_14 = vector.multi_reduction <add>, %square3A, %reduce_sum3A_13 [1] : vector<1000x128xf32> to vector<1000xf32>
    %broadcast_in_dim3A_15 = vector.shape_cast %reduce_sum3A_14 : vector<1000xf32> to vector<1000x1xf32>
    %div3A_16 = arith.constant 1.280000e+02 : f32
    %div3A_17 = vector.broadcast %div3A_16 : f32 to vector<1000x1xf32>
    %div3A_18 = arith.divf %broadcast_in_dim3A_15, %div3A_17 : vector<1000x1xf32>
    %sub3A_19 = vector.broadcast %div3A_11 : vector<1000x1xf32> to vector<1000x128xf32>
    %sub3A_20 = arith.subf %add3A_8, %sub3A_19 : vector<1000x128xf32>
    %add3A_21 = arith.constant 9.99999974E-6 : f32
    %add3A_22 = vector.broadcast %add3A_21 : f32 to vector<1000x1xf32>
    %add3A_23 = arith.addf %div3A_18, %add3A_22 : vector<1000x1xf32>
    %rsqrt3A = math.rsqrt %add3A_23 : vector<1000x1xf32>
    %mul3A = vector.broadcast %rsqrt3A : vector<1000x1xf32> to vector<1000x128xf32>
    %mul3A_24 = arith.mulf %sub3A_20, %mul3A : vector<1000x128xf32>
    %get3A_25 = arith.constant 0 : index
    %get3A_26 = arith.constant 0 : index
    %get3A_27 = vector.load %arg4[%get3A_25, %get3A_26] : memref<1x128xf32, #tpu.memory_space<vmem>>, vector<1x128xf32>
    %mul3A_28 = vector.broadcast %get3A_27 : vector<1x128xf32> to vector<1000x128xf32>
    %mul3A_29 = arith.mulf %mul3A_24, %mul3A_28 : vector<1000x128xf32>
    %get3A_30 = arith.constant 0 : index
    %get3A_31 = arith.constant 0 : index
    %get3A_32 = vector.load %arg5[%get3A_30, %get3A_31] : memref<1x128xf32, #tpu.memory_space<vmem>>, vector<1x128xf32>
    %add3A_33 = vector.broadcast %get3A_32 : vector<1x128xf32> to vector<1000x128xf32>
    %add3A_34 = arith.addf %mul3A_29, %add3A_33 : vector<1000x128xf32>
    %swap3A = arith.constant 0 : index
    %swap3A_35 = arith.constant 0 : index
    %swap3A_36 = vector.load %arg6[%swap3A, %swap3A_35] : memref<1000x128xf32, #tpu.memory_space<vmem>>, vector<1000x128xf32>
    tpu.vector_store %arg6[%swap3A, %swap3A_35], %add3A_34 {strides = array<i32>} : memref<1000x128xf32, #tpu.memory_space<vmem>>, vector<1000x128xf32>,
    return
  }
  func.func @transform_0(%arg0: i32) -> (i32, i32) {
    %c0_i32 = arith.constant 0 : i32
    %c0_i32_0 = arith.constant 0 : i32
    return %arg0, %c0_i32 : i32, i32
  }
  func.func @transform_1(%arg0: i32) -> (i32, i32) {
    %c0_i32 = arith.constant 0 : i32
    %c0_i32_0 = arith.constant 0 : i32
    return %arg0, %c0_i32 : i32, i32
  }
  func.func @transform_2(%arg0: i32) -> (i32, i32) {
    %c0_i32 = arith.constant 0 : i32
    %c0_i32_0 = arith.constant 0 : i32
    return %arg0, %c0_i32 : i32, i32
  }
  func.func @transform_3(%arg0: i32) -> (i32, i32) {
    %c0_i32 = arith.constant 0 : i32
    %c0_i32_0 = arith.constant 0 : i32
    %c0_i32_1 = arith.constant 0 : i32
    return %c0_i32, %c0_i32_0 : i32, i32
  }
  func.func @transform_4(%arg0: i32) -> (i32, i32) {
    %c0_i32 = arith.constant 0 : i32
    %c0_i32_0 = arith.constant 0 : i32
    %c0_i32_1 = arith.constant 0 : i32
    return %c0_i32, %c0_i32_0 : i32, i32
  }
  func.func @transform_5(%arg0: i32) -> (i32, i32) {
    %c0_i32 = arith.constant 0 : i32
    %c0_i32_0 = arith.constant 0 : i32
    return %arg0, %c0_i32 : i32, i32
  }
}

</mosaic_0001>

<sc_bundles>
// kernel: kernel.6.cloned.1.call-start
scs
__scs_entry_jumppad:
0x0: {  	(pc) =	sbr.rel $0x88, $3  }
0x1: {  	(tag) =	ssettag $0x0;
	lr =	simm.s32 $0x1  }
0x2: {  	[smem:$0x3F95] =	sst lr;
	_ =	strace $0xD0000000  }
0x3: {  	_ = 	snop  }
0x4: {  	_ = 	snop  }
0x5: {  	_ = 	snop  }
0x6: {  	_ = 	snop  }
0x7: {  	_ = 	snop  }
__scs_overlays_trampoline_lowered:
0x8: {  	[smem:$0x3FA4] =	sst s0  }
0x9: {  	[smem:$0x3FA5] =	sst s1  }
0xa: {  	[smem:$0x3FA6] =	sst s2  }
0xb: {  	[smem:$0x3FA7] =	sst s3  }
0xc: {  	[smem:$0x3FA8] =	sst s4  }
0xd: {  	[smem:$0x3FA9] =	sst s5  }
0xe: {  	[smem:$0x3FAA] =	sst s6  }
0xf: {  	[smem:$0x3FAB] =	sst s7  }
0x10: {  	[smem:$0x3FAC] =	sst s8  }
0x11: {  	[smem:$0x3FAD] =	sst s9;
	s0 =	simm.s32 @!p0 $0x0  }
0x12: {  	s1 =	sld [smem:$0x3F93];
	s0 =	simm.s32 @p0 $0x1  }
0x13: {  	[smem:$0x3FAE] =	sst s0;
	s0 =	simm.s32 @!p1 $0x0  }
0x14: {  	s2 =	sld [smem:$0x3F92];
	s0 =	simm.s32 @p1 $0x1  }
0x15: {  	[smem:$0x3FAF] =	sst s0;
	s0 =	simm.s32 @!p2 $0x0  }
0x16: {  	s3 =	sld [smem:$0x3FDB];
	s0 =	simm.s32 @p2 $0x1  }
0x17: {  	s4 =	simm.s32 $0x1BF5;
	[smem:$0x3FB1] =	sst s0  }
0x18: {  	s0 =	sld [smem:$0x3F94];
	_ =	swait.ge [sflag:s4], $0x0  }
0x19: {  	s7 =	sld [smem:$0x3F95]  }
0x1a: {  	s8 =	sadd.s32 $0xFFFFE003, lr  }
0x1b: {  	s9 =	sadd.s32 $0xFFFFFEF7, lr;
	s5 =	simm.s32 $0xFFFFFFFF;
	p2 =	slt.u32 s8, $0xFFFFF086  }
0x1c: {  	p1 =	slt.u32 s9, $0xF7A;
	s5 =	simm.s32 @!p2 $0x0  }
0x1d: {  	s5 =	simm.s32 @p1 $0x1;
	p0 =	seq.s32 s7, s2  }
0x1e: {  	s7 =	smul.u32 @!p0 $0xF7A, s2;
	p2 =	seq.s32 @!p0 s5, $0x0  }
0x1f: {  	s9 =	smul.u32 $0xF7A, s1;
	s8 =	simm.s32 @!p0 $0x1BF5;
	p2 =	por !p2, p0  }
0x20: {  	[sflag:s8] =	ssyncset.s32 @!p0 $0xFFFFF086;
	s6 =	sadd.s32 @!p0 s3, s7;
	s7 =	simm.s32 @!p0 $0x108  }
0x21: {  	s3 =	sadd.s32 s3, s9;
	s6 =	sadd.s32 @!p0 $0x88, s6;
	s7 =	simm.s32 @p2 $0x1082  }
0x22: {  	[simem:s7], [sflag:s8] =	dma.local @!p0 [hbm:s6], $0xF7A  }
0x23: {  	s9 =	sor.u32 $0xD0000000, s2;
	s6 =	simm.s32 $0x108;
	_ =	swait.ge @!p0 [sflag:s8], $0x0  }
0x24: {  	s3 =	sadd.s32 $0x88, s3;
	s6 =	simm.s32 @!p1 $0x1082;
	[sflag:s4] =	ssyncset.s32 $0xFFFFF086  }
0x25: {  	[simem:s6], [sflag:s4] =	dma.local [hbm:s3], $0xF7A  }
0x26: {  	[smem:$0x3F95] =	sst s1;
	(tag) =	ssettag s2;
	_ =	strace s9  }
0x27: {  	s1 =	sld [smem:$0x3FA5]  }
0x28: {  	s2 =	sld [smem:$0x3FA6]  }
0x29: {  	s4 =	sld [smem:$0x3FA8]  }
0x2a: {  	p0 =	seq.s32 s5, $0x0;
	s5 =	sld [smem:$0x3FA9]  }
0x2b: {  	s6 =	sld [smem:$0x3FAA]  }
0x2c: {  	s7 =	sld [smem:$0x3FAB]  }
0x2d: {  	s3 =	simm.s32 $0x108;
	s8 =	sld [smem:$0x3FAC]  }
0x2e: {  	s3 =	simm.s32 @!p0 $0x1082;
	s9 =	sld [smem:$0x3FAD]  }
0x2f: {  	lr =	sadd.s32 s0, s3;
	s0 =	sld [smem:$0x3FA4]  }
0x30: {  	s3 =	sld [smem:$0x3FA7]  }
0x31: {  	[smem:$0x3FB0] =	sst s10  }
0x32: {  	s10 =	sld [smem:$0x3FAE];
	_ =	sdelay $0x3  }
0x33: {  	p0 =	seq.s32 s10, $0x1;
	s10 =	sld [smem:$0x3FB0];
	_ =	sdelay $0x3  }
0x34: {  	[smem:$0x3FB0] =	sst s10  }
0x35: {  	s10 =	sld [smem:$0x3FAF];
	_ =	sdelay $0x3  }
0x36: {  	p1 =	seq.s32 s10, $0x1;
	s10 =	sld [smem:$0x3FB0];
	_ =	sdelay $0x3  }
0x37: {  	[smem:$0x3FB0] =	sst s10  }
0x38: {  	s10 =	sld [smem:$0x3FB1]  }
0x39: {  	_ = 	snop;
	(pc) =	sbr.ind lr, $3  }
0x3a: {  	_ = 	snop  }
0x3b: {  	_ = 	snop  }
0x3c: {  	p2 =	seq.s32 s10, $0x1;
	s10 =	sld [smem:$0x3FB0]  }
0x3d: {  	_ =	shalt  }
0x3e: {  	_ =	shalt  }
0x3f: {  	_ =	shalt  }
0x40: {  	_ =	shalt  }
0x41: {  	_ =	shalt  }
0x42: {  	_ =	shalt  }
0x43: {  	_ =	shalt  }
0x44: {  	_ =	shalt  }
0x45: {  	_ =	shalt  }
0x46: {  	_ =	shalt  }
0x47: {  	_ =	shalt  }
0x48: {  	_ =	shalt  }
0x49: {  	_ =	shalt  }
0x4a: {  	_ =	shalt  }
0x4b: {  	_ =	shalt  }
0x4c: {  	_ =	shalt  }
0x4d: {  	_ =	shalt  }
0x4e: {  	_ =	shalt  }
0x4f: {  	_ =	shalt  }
0x50: {  	_ =	shalt  }
0x51: {  	_ =	shalt  }
0x52: {  	_ =	shalt  }
0x53: {  	_ =	shalt  }
0x54: {  	_ =	shalt  }
0x55: {  	_ =	shalt  }
0x56: {  	_ =	shalt  }
0x57: {  	_ =	shalt  }
0x58: {  	_ =	shalt  }
0x59: {  	_ =	shalt  }
0x5a: {  	_ =	shalt  }
0x5b: {  	_ =	shalt  }
0x5c: {  	_ =	shalt  }
0x5d: {  	_ =	shalt  }
0x5e: {  	_ =	shalt  }
0x5f: {  	_ =	shalt  }
0x60: {  	_ =	shalt  }
0x61: {  	_ =	shalt  }
0x62: {  	_ =	shalt  }
0x63: {  	_ =	shalt  }
0x64: {  	_ =	shalt  }
0x65: {  	_ =	shalt  }
0x66: {  	_ =	shalt  }
0x67: {  	_ =	shalt  }
0x68: {  	_ =	shalt  }
0x69: {  	_ =	shalt  }
0x6a: {  	_ =	shalt  }
0x6b: {  	_ =	shalt  }
0x6c: {  	_ =	shalt  }
0x6d: {  	_ =	shalt  }
0x6e: {  	_ =	shalt  }
0x6f: {  	_ =	shalt  }
0x70: {  	_ =	shalt  }
0x71: {  	_ =	shalt  }
0x72: {  	_ =	shalt  }
0x73: {  	_ =	shalt  }
0x74: {  	_ =	shalt  }
0x75: {  	_ =	shalt  }
0x76: {  	_ =	shalt  }
0x77: {  	_ =	shalt  }
0x78: {  	_ =	shalt  }
0x79: {  	_ =	shalt  }
0x7a: {  	_ =	shalt  }
0x7b: {  	_ =	shalt  }
0x7c: {  	_ =	shalt  }
0x7d: {  	_ =	shalt  }
0x7e: {  	_ =	shalt  }
0x7f: {  	_ =	shalt  }
0x80: {  	_ =	shalt  }
0x81: {  	_ =	shalt  }
0x82: {  	_ =	shalt  }
0x83: {  	_ =	shalt  }
0x84: {  	_ =	shalt  }
0x85: {  	_ =	shalt  }
0x86: {  	_ =	shalt  }
0x87: {  	_ =	shalt  }
.Lfunc_end0:
.L_simem_size_0:
called_computation_lowered:
.L_overlay_start_0:
0x88: {  	s2 =	sld [smem:$0x3FD9]  }
0x89: {  	s3 =	sld [smem:$0x3FFE];
	_ =	sdelay $0x1  }
0x8a: {  	s1 =	srdreg.scid  }
0x8b: {  	s0 =	sand.u32 $0x1, s1  }
0x8c: {  	s17 =	sshll.u32 s0, $0xA;
	s2 =	sadd.s32 s3, s2  }
0x8d: {  	s2 =	sadd.s32 s2, s17  }
0x8e: {  	[smem:$0x3FBC] =	sst s2  }
0x8f: {  	_ = 	snop  }
0x90: {  	s2 =	sld [smem:$0x3FC8]  }
0x91: {  	s18 =	sld [smem:$0x3FC7]  }
0x92: {  	s4 =	sld [smem:$0x3FD0];
	(tm) =	ssettm $0x1  }
0x93: {  	s5 =	sld [smem:$0x3FFB];
	_ =	sdelay $0x3  }
0x94: {  	_ =	strace s5  }
0x95: {  	s5 =	sld [smem:$0x3FFC];
	_ =	sdelay $0x3  }
0x96: {  	_ =	strace s5  }
0x97: {  	s5 =	sld [smem:$0x3FFD];
	_ =	sdelay $0x3  }
0x98: {  	_ =	strace s5  }
0x99: {  	_ =	strace $0x8FFFFFFF  }
0x9a: {  	s19 =	sld [smem:$0x3FDB];
	_ =	sdelay $0x1  }
0x9b: {  	s6 =	simm.s32 $_scs_section_size  }
0x9c: {  	s7 =	simm.s32 $_size__tile_overlayer_lowered;
	s8 =	simm.s32 $_tile_overlayer_lowered  }
0x9d: {  	s22 =	simm.s32 $0x1BFF;
	s21 =	sshll.u32 s8, $0x1;
	s5 =	sadd.s32 s6, s19  }
0x9e: {  	s9 =	simm.s32 $0x0;
	s20 =	sshll.u32 s7, $0x1;
	s7 =	sadd.s32 s21, s5  }
0x9f: {  	[timem:s9], [sflag:s22] =	dma.local [hbm:s7], s20  }
0xa0: {  	_ =	swait.ge [sflag:s22], s20  }
0xa1: {  	s6 =	ssub.s32 $0x0, s20;
	[sflag:s22] =	ssyncset.done $0x0  }
0xa2: {  	[sflag:s22] =	ssyncadd.s32 s6;
	_ =	sdelay $0x1  }
0xa3: {  	s23 =	simm.s32 $0x1B8B  }
0xa4: {  	_ =	swait.ge [sflag:s23], $0x1  }
0xa5: {  	[sflag:s23] =	ssyncset.done $0x0  }
0xa6: {  	s25 =	simm.s32 $0x1B8E;
	s24 =	sld [smem:$0x3FFE];
	[sflag:s23] =	ssyncadd.s32 $0xFFFFFFFF  }
0xa7: {  	s26 =	simm.s32 $execute0_lowered;
	[smem:$0x3FD2] =	sst s25  }
0xa8: {  	s7 =	sshll.u32 s26, $0x1;
	_ =	strace $0x80000046;
	[dreg:$0x1] =	wrdreg $0xFFFFFFFF  }
0xa9: {  	s28 =	simm.s32 $_size_execute0_lowered;
	s5 =	sadd.s32 s5, s7;
	[dreg:$0x0] =	wrdreg $0x0  }
0xaa: {  	s7 =	sshll.u32 s28, $0x1;
	[dreg:$0x2] =	wrdreg s5  }
0xab: {  	[dreg:$0x3] =	wrdreg s7  }
0xac: {  	[dreg:$0x4] =	wrdreg $0xC0  }
0xad: {  	_ =	task [dreg:s9], $0x5FFFF  }
0xae: {  	[dreg:$0x1] =	wrdreg $0xFFFFFFFF  }
0xaf: {  	[dreg:$0x0] =	wrdreg $0x60  }
0xb0: {  	[dreg:$0x2] =	wrdreg s24  }
0xb1: {  	[dreg:$0x3] =	wrdreg s4  }
0xb2: {  	[dreg:$0x4] =	wrdreg s2  }
0xb3: {  	[dreg:$0x5] =	wrdreg s18  }
0xb4: {  	[dreg:$0x6] =	wrdreg $0xC2000  }
0xb5: {  	[dreg:$0x7] =	wrdreg $0x9  }
0xb6: {  	_ =	task.clear_ibuf [dreg:s9], $0x8FFFF;
	_ =	strace $0x90000046  }
0xb7: {  	s29 =	simm.s32 $0x9;
	_ =	strace $0x80000048  }
0xb8: {  	_ =	swait.ge [sflag:s29], $0x1  }
0xb9: {  	[sflag:s29] =	ssyncadd.s32 $0xFFFFFFFF  }
0xba: {  	_ =	strace $0x90000048  }
0xbb: {  	_ =	sfence  }
0xbc: {  	s30 =	sld [smem:$0x0];
	_ =	sdelay $0x2  }
0xbd: {  	s31 =	sshll.u32 s1, $0xD;
	s1 =	sshrl.u32 s1, $0x2  }
0xbe: {  	s3 =	sand.u32 $0x4000, s31;
	s1 =	sadd.s32 s1, s30  }
0xbf: {  	s0 =	sor.u32 s3, s0;
	s1 =	sshll.u32 s1, $0x11  }
0xc0: {  	s0 =	sor.u32 s1, s0  }
0xc1: {  	s0 =	sadd.s32 $0x8F2B, s0  }
0xc2: {  	[sflag:s0] =	ssyncadd.remote.s32 $0x1  }
0xc3: {  	_ =	sfence.sel $0xFFFF  }
0xc4: {  	[dreg:$0x0] =	wrdreg $0xFFFFFFFF;
	(pc) =	sbr.abs _section_cstart, $3  }
0xc5: {  	[dreg:$0x1] =	wrdreg $0xFFFFFFFF  }
0xc6: {  	_ =	task.clear_ibuf [dreg:s9], $0x2FFFF;
	_ =	strace $0x9FFFFFFF  }
0xc7: {  	(tm) =	ssettm $0x7FFFFFFF  }
tec
execute0_lowered:
.L_overlay_start_1:
0x0: {  	(tag) =	ssettag $0x1  }
0x1: {  	s0 =	rddreg [dreg:$0x0]  }
0x2: {  	s1 =	rddreg [dreg:$0x1]  }
0x3: {  	s2 =	rddreg [dreg:$0x2]  }
0x4: {  	s3 =	rddreg [dreg:$0x3]  }
0x5: {  	s4 =	rddreg [dreg:$0x4];
	s6 =	simm.s32 $0x0;
	s5 =	srdreg.scid  }
0x6: {  	s19 =	stileid.u32;
	s28 =	simm.s32 $0x1;
	s29 =	simm.s32 $0x0  }
0x7: {  	[smem:$0x7FF] =	sst s6;
	s5 =	sand.u32 $0x1, s5;
	s7 =	sadd.s32 $0x1000, s0  }
0x8: {  	s9 =	smul.u32 $0x13C00, s19;
	s0 =	sadd.s32 $0x4E3000, s0;
	s11 =	sshll.u32 s19, $0x1  }
0x9: {  	p0 =	sgt.u32 s19, $0x1;
	s19 =	simm.s32 $0x2;
	s8 =	ssub.s32 $0x2, s5  }
0xa: {  	_ =	strace $0x80000047;
	s10 =	sshrl.u32 s8, $0x1;
	s13 =	sadd.s32 $0x4000, s9  }
0xb: {  	s14 =	sadd.s32 $0x8000, s9;
	s15 =	sadd.s32 $0xC000, s9;
	s16 =	sadd.s32 $0x10000, s9  }
0xc: {  	s8 =	ssub.s32 s8, s10;
	s10 =	sor.u32 s5, s11;
	s12 =	sadd.s32 s14, s4  }
0xd: {  	s11 =	sadd.s32 s9, s4;
	s18 =	sadd.s32 s15, s4;
	[dreg:$0x7] =	wrdreg s12  }
0xe: {  	s31 =	sadd.s32 s13, s4;
	s20 =	sadd.s32 s16, s4;
	[dreg:$0x8] =	wrdreg s18  }
0xf: {  	s5 =	smul.u32 $0x13C000, s5;
	s17 =	sshll.u32 s10, $0x4;
	[dreg:$0x9] =	wrdreg s20  }
0x10: {  	s18 =	sshll.u32 s10, $0xB;
	s23 =	sshll.u32 s10, $0x7;
	[dreg:$0x6] =	wrdreg s11  }
0x11: {  	s21 =	sadd.s32 s3, s17;
	s22 =	sadd.s32 s2, s17;
	s12 =	sadd.s32 s7, s18  }
0x12: {  	s9 =	sadd.s32 s9, s5;
	s13 =	sadd.s32 s5, s13;
	s14 =	sadd.s32 s5, s14  }
0x13: {  	s15 =	sadd.s32 s5, s15;
	s5 =	sadd.s32 s5, s16;
	s17 =	sor.u32 $0x200, s17  }
0x14: {  	s18 =	sor.u32 $0x4E000, s23;
	s23 =	sor.u32 $0x40, s10;
	[dreg:$0xa] =	wrdreg s21  }
0x15: {  	s16 =	simm.s32 $0x4;
	[dreg:$0xb] =	wrdreg s22;
	s9 =	sshrl.u32 s9, $0x3  }
0x16: {  	s24 =	sshrl.u32 s13, $0x3;
	s25 =	sshrl.u32 s14, $0x3;
	s26 =	sshrl.u32 s15, $0x3  }
0x17: {  	s5 =	sshrl.u32 s5, $0x3;
	s15 =	sadd.s32 s3, s17;
	[dreg:$0xc] =	wrdreg s12  }
0x18: {  	s20 =	sadd.s32 s2, s17;
	s21 =	sshrl.u32 s18, $0x3;
	[dreg:$0x12] =	wrdreg s15  }
0x19: {  	s30 =	sadd.s32 $0x10000, s12;
	s9 =	sadd.s32 s0, s9;
	[dreg:$0x13] =	wrdreg s20  }
0x1a: {  	s13 =	simm.s32 $0x6100;
	s14 =	sadd.s32 s0, s26;
	[dreg:$0xd] =	wrdreg s9  }
0x1b: {  	s17 =	simm.s32 $0x6200;
	s22 =	sadd.s32 s3, s21;
	[dreg:$0x10] =	wrdreg s14  }
0x1c: {  	s26 =	sadd.s32 $0x4D0000, s12;
	s20 =	simm.s32 $0x5;
	[dreg:$0x14] =	wrdreg s22  }
0x1d: {  	s9 =	sadd.s32 s0, s24;
	s24 =	sor.u32 $0x60, s10;
	[dreg:$0x18] =	wrdreg s26  }
0x1e: {  	s26 =	simm.s32 $0x80;
	[dreg:$0xe] =	wrdreg s9;
	s9 =	sadd.s32 s0, s25  }
0x1f: {  	s14 =	simm.s32 $0x6180;
	s0 =	sadd.s32 s0, s5;
	[dreg:$0xf] =	wrdreg s9  }
.Ltmp0:
0x20: {  	s5 =	sadd.s32 s2, s21;
	[dreg:$0x11] =	wrdreg s0;
	(pc) =	sbr.rel .LBB2_1-.Ltmp0, $4  }
0x21: {  	s22 =	simm.s32 $0x6;
	s25 =	smax.u32 s8, $0x1;
	[dreg:$0x15] =	wrdreg s5  }
0x22: {  	s21 =	simm.s32 $0x3;
	s0 =	sshll.u32 s18, $0x4;
	[dreg:$0x17] =	wrdreg s25  }
0x23: {  	s25 =	simm.s32 $0x7;
	s5 =	simm.s32 $0x100;
	s0 =	sadd.s32 s7, s0  }
0x24: {  	v0 =	vimm.f32 $0.0e+00;
	s18 =	simm.s32 $0x8200;
	[dreg:$0x16] =	wrdreg s0;
	s0 =	simm.s32 $0x2100  }
.LBB2_17:
0x25: {  	s8 =	stileid.u32  }
0x26: {  	[bflag:$0x0] =	sbarrier.arrive $0xFFFF;
	s8 =	sshll.u32 s8, $0x6  }
0x27: {  	s9 =	sshrl.u32 s11, $0x3;
	s10 =	rddreg [dreg:$0xd];
	s8 =	sor.u32 $0x1C07, s8  }
0x28: {  	[hbm:s10], [sflag:s8] =	dma.local [spmem:s9], $0x800  }
0x29: {  	_ =	swait.ge [sflag:s25], $0x800  }
0x2a: {  	[sflag:s25] =	ssyncset.done $0x0  }
0x2b: {  	s12 =	sshrl.u32 s31, $0x3;
	s15 =	rddreg [dreg:$0xe];
	[sflag:s25] =	ssyncadd.s32 $0xFFFFF800  }
0x2c: {  	[hbm:s15], [sflag:s8] =	dma.local [spmem:s12], $0x800  }
0x2d: {  	_ =	swait.ge [sflag:s25], $0x800  }
0x2e: {  	[sflag:s25] =	ssyncset.done $0x0;
	s12 =	rddreg [dreg:$0x7]  }
0x2f: {  	s15 =	rddreg [dreg:$0xf];
	[sflag:s25] =	ssyncadd.s32 $0xFFFFF800;
	s9 =	sshrl.u32 s12, $0x3  }
0x30: {  	[hbm:s15], [sflag:s8] =	dma.local [spmem:s9], $0x800  }
0x31: {  	_ =	swait.ge [sflag:s25], $0x800  }
0x32: {  	[sflag:s25] =	ssyncset.done $0x0;
	s12 =	rddreg [dreg:$0x8]  }
0x33: {  	s15 =	rddreg [dreg:$0x10];
	[sflag:s25] =	ssyncadd.s32 $0xFFFFF800;
	s9 =	sshrl.u32 s12, $0x3  }
0x34: {  	[hbm:s15], [sflag:s8] =	dma.local [spmem:s9], $0x800  }
0x35: {  	_ =	swait.ge [sflag:s25], $0x800  }
0x36: {  	[sflag:s25] =	ssyncset.done $0x0;
	s10 =	rddreg [dreg:$0x9]  }
0x37: {  	s12 =	rddreg [dreg:$0x11];
	[sflag:s25] =	ssyncadd.s32 $0xFFFFF800;
	s9 =	sshrl.u32 s10, $0x3  }
0x38: {  	[hbm:s12], [sflag:s8] =	dma.local [spmem:s9], $0x780  }
0x39: {  	_ =	swait.ge [sflag:s25], $0x780  }
0x3a: {  	s29 =	sadd.s32 $0x1, s29;
	s15 =	rddreg [dreg:$0x17]  }
0x3b: {  	p1 =	sne.s32 s29, s15  }
.Ltmp1:
0x3c: {  	_ = 	snop;
	(pc) =	sbr.rel @!p1 .LBB2_18-.Ltmp1, $3  }
0x3d: {  	_ =	sdelay $0x1  }
0x3e: {  	[sflag:s25] =	ssyncset.done $0x0  }
0x3f: {  	[sflag:s25] =	ssyncadd.s32 $0xFFFFF880  }
.LBB2_1:
0x40: {  	s8 =	simm.s32 $0x0;
	s9 =	simm.s32 $0x200  }
.LBB2_2:
0x41: {  	p1 =	sne.s32 s9, $0xFE00;
	[tilespmem:s8+$0x2170] =	vst v0  }
0x42: {  	[tilespmem:s8+$0x2100] =	vst v0  }
0x43: {  	[tilespmem:s8+$0x2110] =	vst v0  }
.Ltmp2:
0x44: {  	[tilespmem:s8+$0x2120] =	vst v0;
	(pc) =	sbr.rel @p1 .LBB2_2-.Ltmp2, $4  }
0x45: {  	[tilespmem:s8+$0x2130] =	vst v0  }
0x46: {  	[tilespmem:s8+$0x2140] =	vst v0  }
0x47: {  	[tilespmem:s8+$0x2150] =	vst v0  }
0x48: {  	[tilespmem:s8+$0x2160] =	vst v0;
	s8 =	sshra.s32 s9, $0x2;
	s9 =	sadd.s32 $0x200, s9  }
0x49: {  	[tilespmem:s8+$0x2170] =	vst v0  }
0x4a: {  	[tilespmem:s8+$0x2100] =	vst v0  }
0x4b: {  	[tilespmem:s8+$0x2110] =	vst v0  }
0x4c: {  	[tilespmem:s8+$0x2120] =	vst v0  }
0x4d: {  	[tilespmem:s8+$0x2130] =	vst v0  }
0x4e: {  	[tilespmem:s8+$0x2140] =	vst v0  }
0x4f: {  	[tilespmem:s8+$0x2150] =	vst v0  }
0x50: {  	[tilespmem:s8+$0x2160] =	vst v0  }
0x51: {  	[spmem:s11] =	stream.linear.scatter [tilespmem:s0], [sflag:$0x7], $0x4000, $0x38;
	[tilespmem:$0x1FE00] =	vst v63  }
0x52: {  	_ =	swait.ge [sflag:s25], $0x4000  }
0x53: {  	[sflag:s25] =	ssyncset.done $0x0  }
0x54: {  	[sflag:s25] =	ssyncadd.s32 $0xFFFFC000  }
0x55: {  	[spmem:s31] =	stream.linear.scatter [tilespmem:s0], [sflag:$0x7], $0x4000, $0x38;
	[tilespmem:$0x1FE00] =	vst v63  }
0x56: {  	_ =	swait.ge [sflag:s25], $0x4000  }
0x57: {  	[sflag:s25] =	ssyncset.done $0x0  }
0x58: {  	s9 =	rddreg [dreg:$0x7];
	[sflag:s25] =	ssyncadd.s32 $0xFFFFC000  }
0x59: {  	[spmem:s9] =	stream.linear.scatter [tilespmem:s0], [sflag:$0x7], $0x4000, $0x38;
	[tilespmem:$0x1FE00] =	vst v63  }
0x5a: {  	_ =	swait.ge [sflag:s25], $0x4000  }
0x5b: {  	[sflag:s25] =	ssyncset.done $0x0  }
0x5c: {  	s10 =	rddreg [dreg:$0x8];
	[sflag:s25] =	ssyncadd.s32 $0xFFFFC000  }
0x5d: {  	[spmem:s10] =	stream.linear.scatter [tilespmem:s0], [sflag:$0x7], $0x4000, $0x38;
	[tilespmem:$0x1FE00] =	vst v63  }
0x5e: {  	_ =	swait.ge [sflag:s25], $0x4000  }
0x5f: {  	[sflag:s25] =	ssyncset.done $0x0  }
0x60: {  	s11 =	rddreg [dreg:$0x9];
	[sflag:s25] =	ssyncadd.s32 $0xFFFFC000  }
0x61: {  	[spmem:s11] =	stream.linear.scatter [tilespmem:s0], [sflag:$0x7], $0x3C00, $0x38;
	[tilespmem:$0x1FE00] =	vst v63  }
0x62: {  	_ =	swait.ge [sflag:s25], $0x3C00  }
0x63: {  	[sflag:s25] =	ssyncset.done $0x0  }
0x64: {  	[sflag:s25] =	ssyncadd.s32 $0xFFFFC400  }
0x65: {  	[bflag:$0x0] =	sbarrier.arrive $0xFFFF  }
0x66: {  	s12 =	smov.u32 s31;
	s31 =	simm.s32 $0x0;
	s15 =	rddreg [dreg:$0xa]  }
0x67: {  	[tilespmem:s31], [sflag:$0x1] =	stream.linear.gather [hbm4b:s15+s31], $0x80, $0x38;
	[tilespmem:$0x1FE00] =	vst v63  }
0x68: {  	s9 =	rddreg [dreg:$0xb]  }
0x69: {  	[tilespmem:s26], [sflag:$0x1] =	stream.linear.gather [hbm4b:s9+s31], $0x80, $0x38;
	[tilespmem:$0x1FE00] =	vst v63  }
0x6a: {  	_ =	swait.ge [sflag:s28], $0x80  }
0x6b: {  	[sflag:s28] =	ssyncset.done $0x0  }
0x6c: {  	[sflag:s28] =	ssyncadd.s32 $0xFFFFFF80  }
0x6d: {  	_ =	swait.ge [sflag:s28], $0x80  }
0x6e: {  	[sflag:s28] =	ssyncset.done $0x0  }
0x6f: {  	[sflag:s28] =	ssyncadd.s32 $0xFFFFFF80  }
0x70: {  	[tilespmem:s5], [sflag:$0x2] =	stream.indirect.gather [hbm4b:s1+s26], $0x40, s31, s26, $0xb8;
	[tilespmem:$0x1FE00] =	vst v63  }
0x71: {  	s10 =	rddreg [dreg:$0xc]  }
0x72: {  	[tilespmem:s0], [sflag:$0x2] =	stream.linear.gather [hbm4b:s10+s31], $0x4000, $0x38;
	[tilespmem:$0x1FE00] =	vst v63  }
0x73: {  	s11 =	rddreg [dreg:$0x12]  }
0x74: {  	[tilespmem:s13], [sflag:$0x4] =	stream.linear.gather [hbm4b:s11+s31], $0x80, $0x38;
	[tilespmem:$0x1FE00] =	vst v63  }
0x75: {  	s15 =	rddreg [dreg:$0x13]  }
0x76: {  	[tilespmem:s14], [sflag:$0x4] =	stream.linear.gather [hbm4b:s15+s31], $0x80, $0x38;
	[tilespmem:$0x1FE00] =	vst v63  }
0x77: {  	s15 =	simm.s32 $0x0  }
.LBB2_4:
0x78: {  	_ =	swait.ge [sflag:s16], $0x80  }
0x79: {  	[sflag:s16] =	ssyncset.done $0x0  }
0x7a: {  	[sflag:s16] =	ssyncadd.s32 $0xFFFFFF80  }
0x7b: {  	_ =	swait.ge [sflag:s16], $0x80  }
0x7c: {  	[sflag:s16] =	ssyncset.done $0x0  }
0x7d: {  	s8 =	sshll.u32 s15, $0x11;
	[sflag:s16] =	ssyncadd.s32 $0xFFFFFF80  }
0x7e: {  	[tilespmem:s17], [sflag:$0x5] =	stream.indirect.gather [hbm4b:s1+s26], $0x40, s13, s26, $0xb8;
	[tilespmem:$0x1FE00] =	vst v63  }
0x7f: {  	s8 =	sadd.s32 s8, s30  }
0x80: {  	[tilespmem:s18], [sflag:$0x5] =	stream.linear.gather [hbm4b:s8+s31], $0x4000, $0x38;
	[tilespmem:$0x1FE00] =	vst v63  }
0x81: {  	_ =	swait.ge [sflag:s19], $0x2000  }
0x82: {  	[sflag:s19] =	ssyncset.done $0x0  }
0x83: {  	[sflag:s19] =	ssyncadd.s32 $0xFFFFE000  }
0x84: {  	_ =	swait.ge [sflag:s19], $0x4000  }
0x85: {  	[sflag:s19] =	ssyncset.done $0x0  }
0x86: {  	s9 =	simm.s32 $0x0;
	[sflag:s19] =	ssyncadd.s32 $0xFFFFC000  }
0x87: {  	s8 =	simm.s32 $0x2140;
	v1 =	vld [tilespmem:s9+$0x100]  }
0x88: {  	s10 =	simm.s32 $0x100;
	v2 =	vld [tilespmem:s8+$0xFFFFFFC0]  }
.LBB2_5:
0x89: {  	p1 =	sne.s32 s10, $0x7F00;
	v3 =	vld [tilespmem:s8+$0xFFFFFFD0];
	_ =	sdelay $0x2  }
0x8a: {  	v4 =	vshll.u32 v1, $0x10  }
0x8b: {  	v1 =	vand.u32 $0xFFFF0000, v1;
	v2 =	vmul.f32 v4, v2  }
0x8c: {  	v1 =	vmul.f32 v1, v3  }
0x8d: {  	[tilespmem:s8+$0xFFFFFFC0] =	vst v2  }
0x8e: {  	[tilespmem:s8+$0xFFFFFFD0] =	vst v1  }
0x8f: {  	v1 =	vld [tilespmem:s9+$0x110]  }
0x90: {  	v2 =	vld [tilespmem:s8+$0xFFFFFFE0]  }
0x91: {  	v3 =	vld [tilespmem:s8+$0xFFFFFFF0];
	_ =	sdelay $0x2  }
0x92: {  	v4 =	vshll.u32 v1, $0x10  }
0x93: {  	v1 =	vand.u32 $0xFFFF0000, v1;
	v2 =	vmul.f32 v4, v2  }
0x94: {  	v1 =	vmul.f32 v1, v3  }
0x95: {  	[tilespmem:s8+$0xFFFFFFE0] =	vst v2  }
0x96: {  	[tilespmem:s8+$0xFFFFFFF0] =	vst v1;
	v1 =	vld [tilespmem:s8+$0x10]  }
0x97: {  	v2 =	vld [tilespmem:s9+$0x120]  }
0x98: {  	v3 =	vld [tilespmem:s8+$0x0];
	_ =	sdelay $0x3  }
0x99: {  	v4 =	vshll.u32 v2, $0x10;
	v2 =	vand.u32 $0xFFFF0000, v2  }
0x9a: {  	v3 =	vmul.f32 v4, v3;
	v1 =	vmul.f32 v2, v1;
	_ =	sdelay $0x1  }
0x9b: {  	[tilespmem:s8+$0x10] =	vst v1  }
0x9c: {  	[tilespmem:s8+$0x0] =	vst v3;
	v1 =	vld [tilespmem:s8+$0x30]  }
0x9d: {  	v2 =	vld [tilespmem:s9+$0x130]  }
0x9e: {  	v3 =	vld [tilespmem:s8+$0x20];
	_ =	sdelay $0x3  }
0x9f: {  	v4 =	vshll.u32 v2, $0x10;
	v2 =	vand.u32 $0xFFFF0000, v2  }
0xa0: {  	v3 =	vmul.f32 v4, v3;
	v1 =	vmul.f32 v2, v1  }
.Ltmp3:
0xa1: {  	(pc) =	sbr.rel @p1 .LBB2_5-.Ltmp3, $4  }
0xa2: {  	[tilespmem:s8+$0x20] =	vst v3  }
0xa3: {  	s9 =	sshra.s32 s10, $0x2;
	[tilespmem:s8+$0x30] =	vst v1  }
0xa4: {  	s8 =	sadd.s32 $0x80, s8;
	v1 =	vld [tilespmem:s9+$0x100]  }
0xa5: {  	s10 =	sadd.s32 $0x100, s10;
	v2 =	vld [tilespmem:s8+$0xFFFFFFC0]  }
0xa6: {  	v3 =	vld [tilespmem:s8+$0xFFFFFFD0];
	_ =	sdelay $0x2  }
0xa7: {  	v4 =	vshll.u32 v1, $0x10  }
0xa8: {  	v1 =	vand.u32 $0xFFFF0000, v1;
	v2 =	vmul.f32 v4, v2  }
0xa9: {  	v1 =	vmul.f32 v1, v3  }
0xaa: {  	[tilespmem:s8+$0xFFFFFFC0] =	vst v2  }
0xab: {  	[tilespmem:s8+$0xFFFFFFD0] =	vst v1  }
0xac: {  	v1 =	vld [tilespmem:s9+$0x110]  }
0xad: {  	v2 =	vld [tilespmem:s8+$0xFFFFFFE0]  }
0xae: {  	v3 =	vld [tilespmem:s8+$0xFFFFFFF0];
	_ =	sdelay $0x2  }
0xaf: {  	v61 =	vshll.u32 v1, $0x10  }
0xb0: {  	v1 =	vand.u32 $0xFFFF0000, v1;
	v2 =	vmul.f32 v61, v2  }
0xb1: {  	v1 =	vmul.f32 v1, v3  }
0xb2: {  	[tilespmem:s8+$0xFFFFFFE0] =	vst v2  }
0xb3: {  	[tilespmem:s8+$0xFFFFFFF0] =	vst v1  }
0xb4: {  	v1 =	vld [tilespmem:s9+$0x120]  }
0xb5: {  	v2 =	vld [tilespmem:s8+$0x10]  }
0xb6: {  	v3 =	vld [tilespmem:s8+$0x0];
	_ =	sdelay $0x2  }
0xb7: {  	v62 =	vand.u32 $0xFFFF0000, v1  }
0xb8: {  	v1 =	vshll.u32 v1, $0x10;
	v2 =	vmul.f32 v62, v2  }
0xb9: {  	v1 =	vmul.f32 v1, v3  }
0xba: {  	[tilespmem:s8+$0x10] =	vst v2  }
0xbb: {  	[tilespmem:s8+$0x0] =	vst v1  }
0xbc: {  	v1 =	vld [tilespmem:s9+$0x130]  }
0xbd: {  	v2 =	vld [tilespmem:s8+$0x20]  }
0xbe: {  	v3 =	vld [tilespmem:s8+$0x30];
	_ =	sdelay $0x2  }
0xbf: {  	v63 =	vshll.u32 v1, $0x10  }
0xc0: {  	v1 =	vand.u32 $0xFFFF0000, v1;
	v2 =	vmul.f32 v63, v2  }
0xc1: {  	v1 =	vmul.f32 v1, v3  }
0xc2: {  	[tilespmem:s8+$0x20] =	vst v2  }
0xc3: {  	[tilespmem:s8+$0x30] =	vst v1  }
0xc4: {  	[spmem:s4] =	stream.indirect.scatter.add.f32 [tilespmem:s0], [sflag:$0x3], $0x80, s26, s26, $0xb8;
	[tilespmem:$0x1FE00] =	vst v63  }
0xc5: {  	_ =	swait.ge [sflag:s20], $0x2000  }
0xc6: {  	[sflag:s20] =	ssyncset.done $0x0  }
0xc7: {  	[sflag:s20] =	ssyncadd.s32 $0xFFFFE000  }
0xc8: {  	_ =	swait.ge [sflag:s20], $0x4000  }
0xc9: {  	[sflag:s20] =	ssyncset.done $0x0  }
0xca: {  	s9 =	simm.s32 $0x0;
	[sflag:s20] =	ssyncadd.s32 $0xFFFFC000  }
0xcb: {  	s8 =	simm.s32 $0x8240;
	v1 =	vld [tilespmem:s9+$0x6200]  }
0xcc: {  	s10 =	simm.s32 $0x100;
	v2 =	vld [tilespmem:s8+$0xFFFFFFC0]  }
.LBB2_7:
0xcd: {  	p1 =	sne.s32 s10, $0x7F00;
	v3 =	vld [tilespmem:s8+$0xFFFFFFD0];
	_ =	sdelay $0x2  }
0xce: {  	v4 =	vshll.u32 v1, $0x10  }
0xcf: {  	v1 =	vand.u32 $0xFFFF0000, v1;
	v2 =	vmul.f32 v4, v2  }
0xd0: {  	v1 =	vmul.f32 v1, v3  }
0xd1: {  	[tilespmem:s8+$0xFFFFFFC0] =	vst v2  }
0xd2: {  	[tilespmem:s8+$0xFFFFFFD0] =	vst v1  }
0xd3: {  	v1 =	vld [tilespmem:s9+$0x6210]  }
0xd4: {  	v2 =	vld [tilespmem:s8+$0xFFFFFFE0]  }
0xd5: {  	v3 =	vld [tilespmem:s8+$0xFFFFFFF0];
	_ =	sdelay $0x2  }
0xd6: {  	v4 =	vshll.u32 v1, $0x10  }
0xd7: {  	v1 =	vand.u32 $0xFFFF0000, v1;
	v2 =	vmul.f32 v4, v2  }
0xd8: {  	v1 =	vmul.f32 v1, v3  }
0xd9: {  	[tilespmem:s8+$0xFFFFFFE0] =	vst v2  }
0xda: {  	[tilespmem:s8+$0xFFFFFFF0] =	vst v1;
	v1 =	vld [tilespmem:s8+$0x10]  }
0xdb: {  	v2 =	vld [tilespmem:s9+$0x6220]  }
0xdc: {  	v3 =	vld [tilespmem:s8+$0x0];
	_ =	sdelay $0x3  }
0xdd: {  	v4 =	vshll.u32 v2, $0x10;
	v2 =	vand.u32 $0xFFFF0000, v2  }
0xde: {  	v3 =	vmul.f32 v4, v3;
	v1 =	vmul.f32 v2, v1;
	_ =	sdelay $0x1  }
0xdf: {  	[tilespmem:s8+$0x10] =	vst v1  }
0xe0: {  	[tilespmem:s8+$0x0] =	vst v3;
	v1 =	vld [tilespmem:s8+$0x30]  }
0xe1: {  	v2 =	vld [tilespmem:s9+$0x6230]  }
0xe2: {  	v3 =	vld [tilespmem:s8+$0x20];
	_ =	sdelay $0x3  }
0xe3: {  	v4 =	vshll.u32 v2, $0x10;
	v2 =	vand.u32 $0xFFFF0000, v2  }
0xe4: {  	v3 =	vmul.f32 v4, v3;
	v1 =	vmul.f32 v2, v1  }
.Ltmp4:
0xe5: {  	(pc) =	sbr.rel @p1 .LBB2_7-.Ltmp4, $4  }
0xe6: {  	[tilespmem:s8+$0x20] =	vst v3  }
0xe7: {  	s9 =	sshra.s32 s10, $0x2;
	[tilespmem:s8+$0x30] =	vst v1  }
0xe8: {  	s8 =	sadd.s32 $0x80, s8;
	v1 =	vld [tilespmem:s9+$0x6200]  }
0xe9: {  	s10 =	sadd.s32 $0x100, s10;
	v2 =	vld [tilespmem:s8+$0xFFFFFFC0]  }
0xea: {  	v3 =	vld [tilespmem:s8+$0xFFFFFFD0];
	_ =	sdelay $0x2  }
0xeb: {  	v4 =	vshll.u32 v1, $0x10  }
0xec: {  	v1 =	vand.u32 $0xFFFF0000, v1;
	v2 =	vmul.f32 v4, v2  }
0xed: {  	v1 =	vmul.f32 v1, v3  }
0xee: {  	[tilespmem:s8+$0xFFFFFFC0] =	vst v2  }
0xef: {  	[tilespmem:s8+$0xFFFFFFD0] =	vst v1  }
0xf0: {  	v1 =	vld [tilespmem:s9+$0x6210]  }
0xf1: {  	v2 =	vld [tilespmem:s8+$0xFFFFFFE0]  }
0xf2: {  	v3 =	vld [tilespmem:s8+$0xFFFFFFF0];
	_ =	sdelay $0x2  }
0xf3: {  	v61 =	vshll.u32 v1, $0x10  }
0xf4: {  	v1 =	vand.u32 $0xFFFF0000, v1;
	v2 =	vmul.f32 v61, v2  }
0xf5: {  	v1 =	vmul.f32 v1, v3  }
0xf6: {  	[tilespmem:s8+$0xFFFFFFE0] =	vst v2  }
0xf7: {  	[tilespmem:s8+$0xFFFFFFF0] =	vst v1  }
0xf8: {  	v1 =	vld [tilespmem:s9+$0x6220]  }
0xf9: {  	v2 =	vld [tilespmem:s8+$0x10]  }
0xfa: {  	v3 =	vld [tilespmem:s8+$0x0];
	_ =	sdelay $0x2  }
0xfb: {  	v62 =	vand.u32 $0xFFFF0000, v1  }
0xfc: {  	v1 =	vshll.u32 v1, $0x10;
	v2 =	vmul.f32 v62, v2  }
0xfd: {  	v1 =	vmul.f32 v1, v3  }
0xfe: {  	[tilespmem:s8+$0x10] =	vst v2  }
0xff: {  	[tilespmem:s8+$0x0] =	vst v1  }
0x100: {  	v1 =	vld [tilespmem:s9+$0x6230]  }
0x101: {  	v2 =	vld [tilespmem:s8+$0x20]  }
0x102: {  	v3 =	vld [tilespmem:s8+$0x30];
	_ =	sdelay $0x2  }
0x103: {  	v63 =	vshll.u32 v1, $0x10  }
0x104: {  	v1 =	vand.u32 $0xFFFF0000, v1;
	v2 =	vmul.f32 v63, v2  }
0x105: {  	v1 =	vmul.f32 v1, v3  }
0x106: {  	[tilespmem:s8+$0x20] =	vst v2  }
0x107: {  	[tilespmem:s8+$0x30] =	vst v1;
	s8 =	sshll.u32 s15, $0x6  }
0x108: {  	_ =	swait.ge [sflag:s21], $0x4000;
	s9 =	sadd.s32 s23, s8  }
0x109: {  	[sflag:s21] =	ssyncset.done $0x0;
	s10 =	sshll.u32 s9, $0x4  }
0x10a: {  	[sflag:s21] =	ssyncadd.s32 $0xFFFFC000;
	s11 =	sadd.s32 s3, s10  }
0x10b: {  	[tilespmem:s6], [sflag:$0x1] =	stream.linear.gather [hbm4b:s11+s6], $0x80, $0x38;
	[tilespmem:$0x1FE00] =	vst v63  }
0x10c: {  	s10 =	sadd.s32 s2, s10  }
0x10d: {  	[tilespmem:s26], [sflag:$0x1] =	stream.linear.gather [hbm4b:s10+s6], $0x80, $0x38;
	[tilespmem:$0x1FE00] =	vst v63  }
0x10e: {  	_ =	swait.ge [sflag:s28], $0x80  }
0x10f: {  	[sflag:s28] =	ssyncset.done $0x0  }
0x110: {  	[sflag:s28] =	ssyncadd.s32 $0xFFFFFF80  }
0x111: {  	_ =	swait.ge [sflag:s28], $0x80  }
0x112: {  	[sflag:s28] =	ssyncset.done $0x0  }
0x113: {  	s9 =	sshll.u32 s9, $0xB;
	[sflag:s28] =	ssyncadd.s32 $0xFFFFFF80  }
0x114: {  	[tilespmem:s5], [sflag:$0x2] =	stream.indirect.gather [hbm4b:s1+s26], $0x40, s6, s26, $0xb8;
	[tilespmem:$0x1FE00] =	vst v63  }
0x115: {  	s9 =	sadd.s32 s7, s9  }
0x116: {  	[tilespmem:s0], [sflag:$0x2] =	stream.linear.gather [hbm4b:s9+s6], $0x4000, $0x38;
	[tilespmem:$0x1FE00] =	vst v63  }
0x117: {  	s15 =	sadd.s32 $0x1, s15  }
0x118: {  	[spmem:s4] =	stream.indirect.scatter.add.f32 [tilespmem:s18], [sflag:$0x6], $0x80, s14, s26, $0xb8;
	[tilespmem:$0x1FE00] =	vst v63  }
0x119: {  	s8 =	sadd.s32 s24, s8;
	p1 =	sne.s32 s15, $0x26;
	_ =	swait.ge [sflag:s22], $0x4000  }
.Ltmp5:
0x11a: {  	s8 =	sshll.u32 s8, $0x4;
	[sflag:s22] =	ssyncset.done $0x0;
	(pc) =	sbr.rel @p1 .LBB2_4-.Ltmp5, $4  }
0x11b: {  	s11 =	sadd.s32 s3, s8;
	[sflag:s22] =	ssyncadd.s32 $0xFFFFC000  }
0x11c: {  	[tilespmem:s13], [sflag:$0x4] =	stream.linear.gather [hbm4b:s11+s6], $0x80, $0x38;
	[tilespmem:$0x1FE00] =	vst v63  }
0x11d: {  	s8 =	sadd.s32 s2, s8  }
0x11e: {  	[tilespmem:s14], [sflag:$0x4] =	stream.linear.gather [hbm4b:s8+s6], $0x80, $0x38;
	[tilespmem:$0x1FE00] =	vst v63  }
0x11f: {  	_ =	swait.ge [sflag:s16], $0x80  }
0x120: {  	[sflag:s16] =	ssyncset.done $0x0  }
0x121: {  	[sflag:s16] =	ssyncadd.s32 $0xFFFFFF80  }
0x122: {  	_ =	swait.ge [sflag:s16], $0x80  }
0x123: {  	[sflag:s16] =	ssyncset.done $0x0  }
0x124: {  	[sflag:s16] =	ssyncadd.s32 $0xFFFFFF80  }
0x125: {  	[tilespmem:s17], [sflag:$0x5] =	stream.indirect.gather [hbm4b:s1+s26], $0x40, s13, s26, $0xb8;
	[tilespmem:$0x1FE00] =	vst v63  }
0x126: {  	s8 =	simm.s32 $0x0;
	s9 =	rddreg [dreg:$0x18]  }
0x127: {  	[tilespmem:s18], [sflag:$0x5] =	stream.linear.gather [hbm4b:s9+s8], $0x4000, $0x38;
	[tilespmem:$0x1FE00] =	vst v63  }
0x128: {  	_ =	swait.ge [sflag:s19], $0x2000  }
0x129: {  	[sflag:s19] =	ssyncset.done $0x0  }
0x12a: {  	[sflag:s19] =	ssyncadd.s32 $0xFFFFE000  }
0x12b: {  	_ =	swait.ge [sflag:s19], $0x4000  }
0x12c: {  	[sflag:s19] =	ssyncset.done $0x0  }
0x12d: {  	s9 =	simm.s32 $0x0;
	[sflag:s19] =	ssyncadd.s32 $0xFFFFC000  }
0x12e: {  	s8 =	simm.s32 $0x2140;
	v1 =	vld [tilespmem:s9+$0x100]  }
0x12f: {  	s10 =	simm.s32 $0x100;
	v2 =	vld [tilespmem:s8+$0xFFFFFFC0]  }
.LBB2_10:
0x130: {  	p1 =	sne.s32 s10, $0x7F00;
	v3 =	vld [tilespmem:s8+$0xFFFFFFD0];
	_ =	sdelay $0x2  }
0x131: {  	v4 =	vshll.u32 v1, $0x10  }
0x132: {  	v1 =	vand.u32 $0xFFFF0000, v1;
	v2 =	vmul.f32 v4, v2  }
0x133: {  	v1 =	vmul.f32 v1, v3  }
0x134: {  	[tilespmem:s8+$0xFFFFFFC0] =	vst v2  }
0x135: {  	[tilespmem:s8+$0xFFFFFFD0] =	vst v1  }
0x136: {  	v1 =	vld [tilespmem:s9+$0x110]  }
0x137: {  	v2 =	vld [tilespmem:s8+$0xFFFFFFE0]  }
0x138: {  	v3 =	vld [tilespmem:s8+$0xFFFFFFF0];
	_ =	sdelay $0x2  }
0x139: {  	v4 =	vshll.u32 v1, $0x10  }
0x13a: {  	v1 =	vand.u32 $0xFFFF0000, v1;
	v2 =	vmul.f32 v4, v2  }
0x13b: {  	v1 =	vmul.f32 v1, v3  }
0x13c: {  	[tilespmem:s8+$0xFFFFFFE0] =	vst v2  }
0x13d: {  	[tilespmem:s8+$0xFFFFFFF0] =	vst v1;
	v1 =	vld [tilespmem:s8+$0x10]  }
0x13e: {  	v2 =	vld [tilespmem:s9+$0x120]  }
0x13f: {  	v3 =	vld [tilespmem:s8+$0x0];
	_ =	sdelay $0x3  }
0x140: {  	v4 =	vshll.u32 v2, $0x10;
	v2 =	vand.u32 $0xFFFF0000, v2  }
0x141: {  	v3 =	vmul.f32 v4, v3;
	v1 =	vmul.f32 v2, v1;
	_ =	sdelay $0x1  }
0x142: {  	[tilespmem:s8+$0x10] =	vst v1  }
0x143: {  	[tilespmem:s8+$0x0] =	vst v3;
	v1 =	vld [tilespmem:s8+$0x30]  }
0x144: {  	v2 =	vld [tilespmem:s9+$0x130]  }
0x145: {  	v3 =	vld [tilespmem:s8+$0x20];
	_ =	sdelay $0x3  }
0x146: {  	v4 =	vshll.u32 v2, $0x10;
	v2 =	vand.u32 $0xFFFF0000, v2  }
0x147: {  	v3 =	vmul.f32 v4, v3;
	v1 =	vmul.f32 v2, v1  }
.Ltmp6:
0x148: {  	(pc) =	sbr.rel @p1 .LBB2_10-.Ltmp6, $4  }
0x149: {  	[tilespmem:s8+$0x20] =	vst v3  }
0x14a: {  	s9 =	sshra.s32 s10, $0x2;
	[tilespmem:s8+$0x30] =	vst v1  }
0x14b: {  	s8 =	sadd.s32 $0x80, s8;
	v1 =	vld [tilespmem:s9+$0x100]  }
0x14c: {  	s10 =	sadd.s32 $0x100, s10;
	v2 =	vld [tilespmem:s8+$0xFFFFFFC0]  }
0x14d: {  	v3 =	vld [tilespmem:s8+$0xFFFFFFD0];
	_ =	sdelay $0x2  }
0x14e: {  	v4 =	vshll.u32 v1, $0x10  }
0x14f: {  	v1 =	vand.u32 $0xFFFF0000, v1;
	v2 =	vmul.f32 v4, v2  }
0x150: {  	v1 =	vmul.f32 v1, v3  }
0x151: {  	[tilespmem:s8+$0xFFFFFFC0] =	vst v2  }
0x152: {  	[tilespmem:s8+$0xFFFFFFD0] =	vst v1  }
0x153: {  	v1 =	vld [tilespmem:s9+$0x110]  }
0x154: {  	v2 =	vld [tilespmem:s8+$0xFFFFFFE0]  }
0x155: {  	v3 =	vld [tilespmem:s8+$0xFFFFFFF0];
	_ =	sdelay $0x2  }
0x156: {  	v61 =	vshll.u32 v1, $0x10  }
0x157: {  	v1 =	vand.u32 $0xFFFF0000, v1;
	v2 =	vmul.f32 v61, v2  }
0x158: {  	v1 =	vmul.f32 v1, v3  }
0x159: {  	[tilespmem:s8+$0xFFFFFFE0] =	vst v2  }
0x15a: {  	[tilespmem:s8+$0xFFFFFFF0] =	vst v1  }
0x15b: {  	v1 =	vld [tilespmem:s9+$0x120]  }
0x15c: {  	v2 =	vld [tilespmem:s8+$0x10]  }
0x15d: {  	v3 =	vld [tilespmem:s8+$0x0];
	_ =	sdelay $0x2  }
0x15e: {  	v62 =	vand.u32 $0xFFFF0000, v1  }
0x15f: {  	v1 =	vshll.u32 v1, $0x10;
	v2 =	vmul.f32 v62, v2  }
0x160: {  	v1 =	vmul.f32 v1, v3  }
0x161: {  	[tilespmem:s8+$0x10] =	vst v2  }
0x162: {  	[tilespmem:s8+$0x0] =	vst v1  }
0x163: {  	v1 =	vld [tilespmem:s9+$0x130]  }
0x164: {  	v2 =	vld [tilespmem:s8+$0x20]  }
0x165: {  	v3 =	vld [tilespmem:s8+$0x30];
	_ =	sdelay $0x2  }
0x166: {  	v63 =	vshll.u32 v1, $0x10  }
0x167: {  	v1 =	vand.u32 $0xFFFF0000, v1;
	v2 =	vmul.f32 v63, v2  }
0x168: {  	v1 =	vmul.f32 v1, v3  }
0x169: {  	[tilespmem:s8+$0x20] =	vst v2  }
0x16a: {  	[tilespmem:s8+$0x30] =	vst v1  }
0x16b: {  	[spmem:s4] =	stream.indirect.scatter.add.f32 [tilespmem:s0], [sflag:$0x3], $0x80, s26, s26, $0xb8;
	[tilespmem:$0x1FE00] =	vst v63  }
0x16c: {  	_ =	swait.ge [sflag:s20], $0x2000  }
0x16d: {  	[sflag:s20] =	ssyncset.done $0x0  }
0x16e: {  	[sflag:s20] =	ssyncadd.s32 $0xFFFFE000  }
0x16f: {  	_ =	swait.ge [sflag:s20], $0x4000  }
0x170: {  	[sflag:s20] =	ssyncset.done $0x0  }
0x171: {  	s9 =	simm.s32 $0x0;
	[sflag:s20] =	ssyncadd.s32 $0xFFFFC000  }
0x172: {  	s8 =	simm.s32 $0x8240;
	v1 =	vld [tilespmem:s9+$0x6200]  }
0x173: {  	s10 =	simm.s32 $0x100;
	s31 =	smov.u32 s12;
	s11 =	rddreg [dreg:$0x6];
	v2 =	vld [tilespmem:s8+$0xFFFFFFC0]  }
.LBB2_12:
0x174: {  	p1 =	sne.s32 s10, $0x7F00;
	v3 =	vld [tilespmem:s8+$0xFFFFFFD0];
	_ =	sdelay $0x2  }
0x175: {  	v4 =	vshll.u32 v1, $0x10  }
0x176: {  	v1 =	vand.u32 $0xFFFF0000, v1;
	v2 =	vmul.f32 v4, v2  }
0x177: {  	v1 =	vmul.f32 v1, v3  }
0x178: {  	[tilespmem:s8+$0xFFFFFFC0] =	vst v2  }
0x179: {  	[tilespmem:s8+$0xFFFFFFD0] =	vst v1  }
0x17a: {  	v1 =	vld [tilespmem:s9+$0x6210]  }
0x17b: {  	v2 =	vld [tilespmem:s8+$0xFFFFFFE0]  }
0x17c: {  	v3 =	vld [tilespmem:s8+$0xFFFFFFF0];
	_ =	sdelay $0x2  }
0x17d: {  	v4 =	vshll.u32 v1, $0x10  }
0x17e: {  	v1 =	vand.u32 $0xFFFF0000, v1;
	v2 =	vmul.f32 v4, v2  }
0x17f: {  	v1 =	vmul.f32 v1, v3  }
0x180: {  	[tilespmem:s8+$0xFFFFFFE0] =	vst v2  }
0x181: {  	[tilespmem:s8+$0xFFFFFFF0] =	vst v1;
	v1 =	vld [tilespmem:s8+$0x10]  }
0x182: {  	v2 =	vld [tilespmem:s9+$0x6220]  }
0x183: {  	v3 =	vld [tilespmem:s8+$0x0];
	_ =	sdelay $0x3  }
0x184: {  	v4 =	vshll.u32 v2, $0x10;
	v2 =	vand.u32 $0xFFFF0000, v2  }
0x185: {  	v3 =	vmul.f32 v4, v3;
	v1 =	vmul.f32 v2, v1;
	_ =	sdelay $0x1  }
0x186: {  	[tilespmem:s8+$0x10] =	vst v1  }
0x187: {  	[tilespmem:s8+$0x0] =	vst v3;
	v1 =	vld [tilespmem:s8+$0x30]  }
0x188: {  	v2 =	vld [tilespmem:s9+$0x6230]  }
0x189: {  	v3 =	vld [tilespmem:s8+$0x20];
	_ =	sdelay $0x3  }
0x18a: {  	v4 =	vshll.u32 v2, $0x10;
	v2 =	vand.u32 $0xFFFF0000, v2  }
0x18b: {  	v3 =	vmul.f32 v4, v3;
	v1 =	vmul.f32 v2, v1  }
.Ltmp7:
0x18c: {  	(pc) =	sbr.rel @p1 .LBB2_12-.Ltmp7, $4  }
0x18d: {  	[tilespmem:s8+$0x20] =	vst v3  }
0x18e: {  	s9 =	sshra.s32 s10, $0x2;
	[tilespmem:s8+$0x30] =	vst v1  }
0x18f: {  	s8 =	sadd.s32 $0x80, s8;
	v1 =	vld [tilespmem:s9+$0x6200]  }
0x190: {  	s10 =	sadd.s32 $0x100, s10;
	v2 =	vld [tilespmem:s8+$0xFFFFFFC0]  }
0x191: {  	v3 =	vld [tilespmem:s8+$0xFFFFFFD0];
	_ =	sdelay $0x2  }
0x192: {  	v4 =	vshll.u32 v1, $0x10  }
0x193: {  	v1 =	vand.u32 $0xFFFF0000, v1;
	v2 =	vmul.f32 v4, v2  }
0x194: {  	v1 =	vmul.f32 v1, v3  }
0x195: {  	[tilespmem:s8+$0xFFFFFFC0] =	vst v2  }
0x196: {  	[tilespmem:s8+$0xFFFFFFD0] =	vst v1  }
0x197: {  	v1 =	vld [tilespmem:s9+$0x6210]  }
0x198: {  	v2 =	vld [tilespmem:s8+$0xFFFFFFE0]  }
0x199: {  	v3 =	vld [tilespmem:s8+$0xFFFFFFF0];
	_ =	sdelay $0x2  }
0x19a: {  	v61 =	vshll.u32 v1, $0x10  }
0x19b: {  	v1 =	vand.u32 $0xFFFF0000, v1;
	v2 =	vmul.f32 v61, v2  }
0x19c: {  	v1 =	vmul.f32 v1, v3  }
0x19d: {  	[tilespmem:s8+$0xFFFFFFE0] =	vst v2  }
0x19e: {  	[tilespmem:s8+$0xFFFFFFF0] =	vst v1  }
0x19f: {  	v1 =	vld [tilespmem:s9+$0x6220]  }
0x1a0: {  	v2 =	vld [tilespmem:s8+$0x10]  }
0x1a1: {  	v3 =	vld [tilespmem:s8+$0x0];
	_ =	sdelay $0x2  }
0x1a2: {  	v62 =	vand.u32 $0xFFFF0000, v1  }
0x1a3: {  	v1 =	vshll.u32 v1, $0x10;
	v2 =	vmul.f32 v62, v2  }
0x1a4: {  	v1 =	vmul.f32 v1, v3  }
0x1a5: {  	[tilespmem:s8+$0x10] =	vst v2  }
0x1a6: {  	[tilespmem:s8+$0x0] =	vst v1  }
0x1a7: {  	v1 =	vld [tilespmem:s9+$0x6230]  }
0x1a8: {  	v2 =	vld [tilespmem:s8+$0x20]  }
0x1a9: {  	v3 =	vld [tilespmem:s8+$0x30];
	_ =	sdelay $0x2  }
0x1aa: {  	v63 =	vshll.u32 v1, $0x10  }
0x1ab: {  	v1 =	vand.u32 $0xFFFF0000, v1;
	v2 =	vmul.f32 v63, v2  }
0x1ac: {  	v1 =	vmul.f32 v1, v3  }
0x1ad: {  	[tilespmem:s8+$0x20] =	vst v2  }
0x1ae: {  	[tilespmem:s8+$0x30] =	vst v1  }
0x1af: {  	_ =	swait.ge [sflag:s21], $0x4000  }
0x1b0: {  	[sflag:s21] =	ssyncset.done $0x0  }
.Ltmp8:
0x1b1: {  	[sflag:s21] =	ssyncadd.s32 $0xFFFFC000;
	(pc) =	sbr.rel @p0 .LBB2_17-.Ltmp8, $4  }
0x1b2: {  	[spmem:s4] =	stream.indirect.scatter.add.f32 [tilespmem:s18], [sflag:$0x6], $0x80, s14, s26, $0xb8;
	[tilespmem:$0x1FE00] =	vst v63  }
0x1b3: {  	_ =	swait.ge [sflag:s22], $0x4000  }
0x1b4: {  	[sflag:s22] =	ssyncset.done $0x0  }
0x1b5: {  	[sflag:s22] =	ssyncadd.s32 $0xFFFFC000  }
0x1b6: {  	s8 =	simm.s32 $0x0;
	s9 =	rddreg [dreg:$0x14]  }
0x1b7: {  	[tilespmem:s8], [sflag:$0x7] =	stream.linear.gather [hbm4b:s9+s8], $0x80, $0x38;
	[tilespmem:$0x1FE00] =	vst v63  }
0x1b8: {  	_ =	swait.ge [sflag:s25], $0x80  }
0x1b9: {  	[sflag:s25] =	ssyncset.done $0x0  }
0x1ba: {  	s12 =	rddreg [dreg:$0x15];
	[sflag:s25] =	ssyncadd.s32 $0xFFFFFF80  }
0x1bb: {  	[tilespmem:s26], [sflag:$0x7] =	stream.linear.gather [hbm4b:s12+s8], $0x80, $0x38;
	[tilespmem:$0x1FE00] =	vst v63  }
0x1bc: {  	_ =	swait.ge [sflag:s25], $0x80  }
0x1bd: {  	[sflag:s25] =	ssyncset.done $0x0  }
0x1be: {  	[sflag:s25] =	ssyncadd.s32 $0xFFFFFF80  }
0x1bf: {  	[tilespmem:s5], [sflag:$0x2] =	stream.indirect.gather [hbm4b:s1+s26], $0x40, s8, s26, $0xb8;
	[tilespmem:$0x1FE00] =	vst v63  }
0x1c0: {  	_ =	swait.ge [sflag:s19], $0x2000  }
0x1c1: {  	[sflag:s19] =	ssyncset.done $0x0  }
0x1c2: {  	s15 =	rddreg [dreg:$0x16];
	[sflag:s19] =	ssyncadd.s32 $0xFFFFE000  }
0x1c3: {  	[tilespmem:s0], [sflag:$0x7] =	stream.linear.gather [hbm4b:s15+s8], $0x4000, $0x38;
	[tilespmem:$0x1FE00] =	vst v63  }
0x1c4: {  	_ =	swait.ge [sflag:s25], $0x4000  }
0x1c5: {  	[sflag:s25] =	ssyncset.done $0x0  }
0x1c6: {  	s9 =	simm.s32 $0x0;
	[sflag:s25] =	ssyncadd.s32 $0xFFFFC000  }
0x1c7: {  	s8 =	simm.s32 $0x2140;
	v1 =	vld [tilespmem:s9+$0x100]  }
0x1c8: {  	s10 =	simm.s32 $0x100;
	v2 =	vld [tilespmem:s8+$0xFFFFFFC0]  }
.LBB2_15:
0x1c9: {  	p1 =	sne.s32 s10, $0x7F00;
	v3 =	vld [tilespmem:s8+$0xFFFFFFD0];
	_ =	sdelay $0x2  }
0x1ca: {  	v4 =	vshll.u32 v1, $0x10  }
0x1cb: {  	v1 =	vand.u32 $0xFFFF0000, v1;
	v2 =	vmul.f32 v4, v2  }
0x1cc: {  	v1 =	vmul.f32 v1, v3  }
0x1cd: {  	[tilespmem:s8+$0xFFFFFFC0] =	vst v2  }
0x1ce: {  	[tilespmem:s8+$0xFFFFFFD0] =	vst v1  }
0x1cf: {  	v1 =	vld [tilespmem:s9+$0x110]  }
0x1d0: {  	v2 =	vld [tilespmem:s8+$0xFFFFFFE0]  }
0x1d1: {  	v3 =	vld [tilespmem:s8+$0xFFFFFFF0];
	_ =	sdelay $0x2  }
0x1d2: {  	v4 =	vshll.u32 v1, $0x10  }
0x1d3: {  	v1 =	vand.u32 $0xFFFF0000, v1;
	v2 =	vmul.f32 v4, v2  }
0x1d4: {  	v1 =	vmul.f32 v1, v3  }
0x1d5: {  	[tilespmem:s8+$0xFFFFFFE0] =	vst v2  }
0x1d6: {  	[tilespmem:s8+$0xFFFFFFF0] =	vst v1;
	v1 =	vld [tilespmem:s8+$0x10]  }
0x1d7: {  	v2 =	vld [tilespmem:s9+$0x120]  }
0x1d8: {  	v3 =	vld [tilespmem:s8+$0x0];
	_ =	sdelay $0x3  }
0x1d9: {  	v4 =	vshll.u32 v2, $0x10;
	v2 =	vand.u32 $0xFFFF0000, v2  }
0x1da: {  	v3 =	vmul.f32 v4, v3;
	v1 =	vmul.f32 v2, v1;
	_ =	sdelay $0x1  }
0x1db: {  	[tilespmem:s8+$0x10] =	vst v1  }
0x1dc: {  	[tilespmem:s8+$0x0] =	vst v3;
	v1 =	vld [tilespmem:s8+$0x30]  }
0x1dd: {  	v2 =	vld [tilespmem:s9+$0x130]  }
0x1de: {  	v3 =	vld [tilespmem:s8+$0x20];
	_ =	sdelay $0x3  }
0x1df: {  	v4 =	vshll.u32 v2, $0x10;
	v2 =	vand.u32 $0xFFFF0000, v2  }
0x1e0: {  	v3 =	vmul.f32 v4, v3;
	v1 =	vmul.f32 v2, v1  }
.Ltmp9:
0x1e1: {  	(pc) =	sbr.rel @p1 .LBB2_15-.Ltmp9, $4  }
0x1e2: {  	[tilespmem:s8+$0x20] =	vst v3  }
0x1e3: {  	s9 =	sshra.s32 s10, $0x2;
	[tilespmem:s8+$0x30] =	vst v1  }
0x1e4: {  	s8 =	sadd.s32 $0x80, s8;
	v1 =	vld [tilespmem:s9+$0x100]  }
0x1e5: {  	s10 =	sadd.s32 $0x100, s10;
	v2 =	vld [tilespmem:s8+$0xFFFFFFC0]  }
0x1e6: {  	v3 =	vld [tilespmem:s8+$0xFFFFFFD0];
	_ =	sdelay $0x2  }
0x1e7: {  	v4 =	vshll.u32 v1, $0x10  }
0x1e8: {  	v1 =	vand.u32 $0xFFFF0000, v1;
	v2 =	vmul.f32 v4, v2  }
0x1e9: {  	v1 =	vmul.f32 v1, v3  }
0x1ea: {  	[tilespmem:s8+$0xFFFFFFC0] =	vst v2  }
0x1eb: {  	[tilespmem:s8+$0xFFFFFFD0] =	vst v1  }
0x1ec: {  	v1 =	vld [tilespmem:s9+$0x110]  }
0x1ed: {  	v2 =	vld [tilespmem:s8+$0xFFFFFFE0]  }
0x1ee: {  	v3 =	vld [tilespmem:s8+$0xFFFFFFF0];
	_ =	sdelay $0x2  }
0x1ef: {  	v61 =	vshll.u32 v1, $0x10  }
0x1f0: {  	v1 =	vand.u32 $0xFFFF0000, v1;
	v2 =	vmul.f32 v61, v2  }
0x1f1: {  	v1 =	vmul.f32 v1, v3  }
0x1f2: {  	[tilespmem:s8+$0xFFFFFFE0] =	vst v2  }
0x1f3: {  	[tilespmem:s8+$0xFFFFFFF0] =	vst v1  }
0x1f4: {  	v1 =	vld [tilespmem:s9+$0x120]  }
0x1f5: {  	v2 =	vld [tilespmem:s8+$0x10]  }
0x1f6: {  	v3 =	vld [tilespmem:s8+$0x0];
	_ =	sdelay $0x2  }
0x1f7: {  	v62 =	vand.u32 $0xFFFF0000, v1  }
0x1f8: {  	v1 =	vshll.u32 v1, $0x10;
	v2 =	vmul.f32 v62, v2  }
0x1f9: {  	v1 =	vmul.f32 v1, v3  }
0x1fa: {  	[tilespmem:s8+$0x10] =	vst v2  }
0x1fb: {  	[tilespmem:s8+$0x0] =	vst v1  }
0x1fc: {  	v1 =	vld [tilespmem:s9+$0x130]  }
0x1fd: {  	v2 =	vld [tilespmem:s8+$0x20]  }
0x1fe: {  	v3 =	vld [tilespmem:s8+$0x30];
	_ =	sdelay $0x2  }
0x1ff: {  	v63 =	vshll.u32 v1, $0x10  }
0x200: {  	v1 =	vand.u32 $0xFFFF0000, v1;
	v2 =	vmul.f32 v63, v2  }
0x201: {  	v1 =	vmul.f32 v1, v3  }
0x202: {  	[tilespmem:s8+$0x20] =	vst v2  }
.Ltmp10:
0x203: {  	[tilespmem:s8+$0x30] =	vst v1;
	(pc) =	sbr.rel .LBB2_17-.Ltmp10, $4  }
0x204: {  	[spmem:s4] =	stream.indirect.scatter.add.f32 [tilespmem:s0], [sflag:$0x7], $0x80, s26, s26, $0xb8;
	[tilespmem:$0x1FE00] =	vst v63  }
0x205: {  	_ =	swait.ge [sflag:s25], $0x4000  }
0x206: {  	[sflag:s25] =	ssyncset.done $0x0  }
0x207: {  	[sflag:s25] =	ssyncadd.s32 $0xFFFFC000  }
.LBB2_18:
0x208: {  	_ =	sfence.sel $0x180000  }
0x209: {  	[bflag:$0x0] =	sbarrier.arrive $0xFFFF  }
0x20a: {  	_ =	strace $0x90000047  }
0x20b: {  	s0 =	stileid.u32;
	[bflag:$0x2] =	sbarrier.arrive $0xFFFF  }
0x20c: {  	p0 =	sne.s32 s0, $0x0;
	s0 =	rddreg [dreg:$0x5]  }
0x20d: {  	s0 =	sadd.s32 @!p0 $0x100000, s0  }
0x20e: {  	[sflag:s0] =	ssyncadd.tile.s32 @!p0 $0x1;
	_ =	shalt  }
.Lfunc_end2:
_tile_overlayer_lowered:
.L_overlay_start_2:
0x20f: {  	(tag) =	ssettag $0x2  }
0x210: {  	s0 =	rddreg [dreg:$0x0];
	s2 =	stileid.u32  }
0x211: {  	s1 =	rddreg [dreg:$0x1];
	p0 =	sne.s32 s2, $0x0  }
0x212: {  	s3 =	rddreg [dreg:$0x2];
	[bflag:$0x3] =	sbarrier.arrive $0xFFFF;
	s2 =	simm.s32 @!p0 $0x1C07  }
0x213: {  	[timem:s3], [sflag:s2] =	dma.local @!p0 [hbm:s0], s1  }
0x214: {  	s0 =	simm.s32 @!p0 $0x7  }
0x215: {  	_ =	swait.ge @!p0 [sflag:s0], s1  }
0x216: {  	s1 =	ssub.s32 @!p0 $0x0, s1;
	[sflag:s0] =	ssyncset.done @!p0 $0x0  }
0x217: {  	[sflag:s0] =	ssyncadd.s32 @!p0 s1  }
0x218: {  	[bflag:$0x3] =	sbarrier.arrive $0xFFFF  }
0x219: {  	_ =	shalt  }

</sc_bundles>
